<compile_context>
chip_gen: v7x
topology: tpu7x:2x2x1
jax: 0.10.2.dev20260603
libtpu: 0.0.44.dev20260713+nightly
codegen_flags: <defaults>
</compile_context>

<pallas_src>
import jax
import jax.numpy as jnp
from jax import lax
from jax.experimental import pallas as pl
from jax.experimental.pallas import tpu as pltpu
from jax.experimental.pallas import tpu_sc as plsc

N = 10000
E = 160000
H = 256
NC, NS, L = 2, 16, 16
NW = NC * NS
CHUNK = 128
NCHUNK = E // CHUNK
KMAX = (NCHUNK + NW - 1) // NW
N4 = N * 4
HW = H // 2
BE = 4000
NORM_INV = 1.0 / 100.0
CRANGE = 100.0


def _proj_body(h_ref, we_ref, wo_ref, out_ref):
    ye = jnp.dot(h_ref[...], we_ref[0], preferred_element_type=jnp.float32)
    yo = jnp.dot(h_ref[...], wo_ref[0], preferred_element_type=jnp.float32)
    eb = lax.bitcast_convert_type(
        ye.astype(jnp.bfloat16).astype(jnp.float32), jnp.uint32)
    ob = lax.bitcast_convert_type(
        yo.astype(jnp.bfloat16).astype(jnp.float32), jnp.uint32)
    packed = (lax.shift_right_logical(eb, jnp.uint32(16))
              | (ob & jnp.uint32(0xFFFF0000)))
    out_ref[0] = lax.bitcast_convert_type(packed, jnp.int32)


def _project(h, w_even, w_odd):
    return pl.pallas_call(
        _proj_body,
        grid=(2,),
        in_specs=[
            pl.BlockSpec((N, H), lambda j: (0, 0)),
            pl.BlockSpec((1, H, HW), lambda j: (j, 0, 0)),
            pl.BlockSpec((1, H, HW), lambda j: (j, 0, 0)),
        ],
        out_specs=pl.BlockSpec((1, N, HW), lambda j: (j, 0, 0)),
        out_shape=jax.ShapeDtypeStruct((2, N, HW), jnp.int32),
    )(h, w_even, w_odd)


def _gather_body(t_hbm, rcp_hbm, g_hbm,
                 rcall_v, buf0, buf1, semg0, semg1, sems0, sems1):
    wid = lax.axis_index("s") * NC + lax.axis_index("c")
    pltpu.sync_copy(rcp_hbm.at[wid], rcall_v)

    def g_start(p, buf, sem):
        ca = pltpu.async_copy(t_hbm.at[rcall_v.at[p * 2]],
                              buf.at[pl.ds(0, CHUNK), :], sem)
        cb = pltpu.async_copy(t_hbm.at[rcall_v.at[p * 2 + 1]],
                              buf.at[pl.ds(CHUNK, CHUNK), :], sem)
        return ca, cb

    def g_add(buf):
        def add_body(e, c2):
            for j in range(HW // L):
                s = pl.ds(j * L, L)
                a = plsc.bitcast(buf[e, s], jnp.bfloat16)
                b = plsc.bitcast(buf[e + CHUNK, s], jnp.bfloat16)
                buf[e, s] = plsc.bitcast(a + b, jnp.int32)
            return c2

        lax.fori_loop(0, CHUNK, add_body, 0)

    def g_store(p, buf, sem):
        chunk = wid * KMAX + p
        base = pl.multiple_of(
            jnp.where(chunk < NCHUNK, chunk, NCHUNK) * CHUNK, CHUNK)
        return pltpu.async_copy(buf.at[pl.ds(0, CHUNK), :],
                                g_hbm.at[pl.ds(base, CHUNK), :], sem)

    def do_pair(k2, carry):
        p0 = k2 * 2
        ca0, cb0 = g_start(p0, buf0, semg0)
        ca1, cb1 = g_start(p0 + 1, buf1, semg1)
        ca0.wait()
        cb0.wait()
        g_add(buf0)
        st0 = g_store(p0, buf0, sems0)
        ca1.wait()
        cb1.wait()
        g_add(buf1)
        st1 = g_store(p0 + 1, buf1, sems1)
        st0.wait()
        st1.wait()
        return carry

    lax.fori_loop(0, KMAX // 2, do_pair, 0)


def _gather(t_table, rcp):
    mesh = plsc.VectorSubcoreMesh(
        core_axis_name="c", subcore_axis_name="s",
        num_cores=NC, num_subcores=NS)
    f = pl.kernel(
        _gather_body,
        out_type=jax.ShapeDtypeStruct((E + BE, HW), jnp.int32),
        mesh=mesh,
        scratch_types=[
            pltpu.VMEM((KMAX * 2, CHUNK), jnp.int32),
            pltpu.VMEM((2 * CHUNK, HW), jnp.int32),
            pltpu.VMEM((2 * CHUNK, HW), jnp.int32),
            pltpu.SemaphoreType.DMA,
            pltpu.SemaphoreType.DMA,
            pltpu.SemaphoreType.DMA,
            pltpu.SemaphoreType.DMA,
        ],
        compiler_params=pltpu.CompilerParams(needs_layout_passes=False),
    )
    return f(t_table, rcp)


def _mlp_body(g_ref, ea_ref, cd_ref, w1ce_ref, w1co_ref, b1e_ref, b1o_ref,
              w2e_ref, w2o_ref, b2_ref, w3_ref, out_ref):
    gw = lax.bitcast_convert_type(g_ref[...], jnp.uint32)
    ge = lax.bitcast_convert_type(lax.shift_left(gw, jnp.uint32(16)),
                                  jnp.float32)
    go = lax.bitcast_convert_type(gw & jnp.uint32(0xFFFF0000), jnp.float32)
    ea = ea_ref[...]
    ze = (ge + jnp.dot(ea, w1ce_ref[...], preferred_element_type=jnp.float32)
          + b1e_ref[...])
    zo = (go + jnp.dot(ea, w1co_ref[...], preferred_element_type=jnp.float32)
          + b1o_ref[...])
    x1e = ze * jax.nn.sigmoid(ze)
    x1o = zo * jax.nn.sigmoid(zo)
    y = (jnp.dot(x1e.astype(jnp.bfloat16), w2e_ref[...],
                 preferred_element_type=jnp.float32)
         + jnp.dot(x1o.astype(jnp.bfloat16), w2o_ref[...],
                   preferred_element_type=jnp.float32)
         + b2_ref[...])
    x2 = y * jax.nn.sigmoid(y)
    m = jnp.sum(x2 * w3_ref[...], axis=1, keepdims=True)
    cd4 = jnp.pad(cd_ref[...], ((0, 0), (0, 1)))
    out_ref[...] = cd4 * (jnp.tanh(m) * CRANGE)


def _mlp(g, ea, cd, w1ce, w1co, b1e, b1o, w2e, w2o, b2r, w3r):
    grid = ((E + BE) // BE,)
    return pl.pallas_call(
        _mlp_body,
        grid=grid,
        in_specs=[
            pl.BlockSpec((BE, HW), lambda i: (i, 0)),
            pl.BlockSpec((BE, 4), lambda i: (i, 0)),
            pl.BlockSpec((BE, 3), lambda i: (i, 0)),
            pl.BlockSpec((4, HW), lambda i: (0, 0)),
            pl.BlockSpec((4, HW), lambda i: (0, 0)),
            pl.BlockSpec((1, HW), lambda i: (0, 0)),
            pl.BlockSpec((1, HW), lambda i: (0, 0)),
            pl.BlockSpec((HW, H), lambda i: (0, 0)),
            pl.BlockSpec((HW, H), lambda i: (0, 0)),
            pl.BlockSpec((1, H), lambda i: (0, 0)),
            pl.BlockSpec((1, H), lambda i: (0, 0)),
        ],
        out_specs=pl.BlockSpec((BE, 4), lambda i: (i, 0)),
        out_shape=jax.ShapeDtypeStruct((E + BE, 4), jnp.float32),
    )(g, ea, cd, w1ce, w1co, b1e, b1o, w2e, w2o, b2r, w3r)


ZSEG = 1000
EPT = E // NW
NSUB = EPT // CHUNK
TAIL = EPT - NSUB * CHUNK


def _scatter_body(t_hbm, sidx_hbm, sidxt_hbm, zeros_hbm, part_hbm,
                  sidx_v, sidxt_v, tv0, tv1, tvt, shared, sem):
    cid = lax.axis_index("c")
    sid = lax.axis_index("s")
    wid = sid * NC + cid
    ebase = pl.multiple_of(wid * EPT, 8)

    @pl.when(sid < 10)
    def _():
        pltpu.sync_copy(zeros_hbm.at[pl.ds(sid * ZSEG, ZSEG), :],
                        shared.at[pl.ds(sid * ZSEG, ZSEG), :])

    pltpu.sync_copy(sidx_hbm.at[wid], sidx_v)
    pltpu.sync_copy(sidxt_hbm.at[wid], sidxt_v)
    plsc.subcore_barrier()

    def sub_body(k2, carry):
        k0 = k2 * 2
        pltpu.sync_copy(t_hbm.at[pl.ds(ebase + k0 * CHUNK, CHUNK), :], tv0)
        cp0 = pltpu.async_copy(tv0, shared.at[sidx_v.at[k0]], sem, add=True)
        pltpu.sync_copy(t_hbm.at[pl.ds(ebase + (k0 + 1) * CHUNK, CHUNK), :],
                        tv1)
        cp1 = pltpu.async_copy(tv1, shared.at[sidx_v.at[k0 + 1]], sem,
                               add=True)
        cp0.wait()
        cp1.wait()
        return carry

    lax.fori_loop(0, (NSUB - 1) // 2, sub_body, 0)
    pltpu.sync_copy(t_hbm.at[pl.ds(ebase + (NSUB - 1) * CHUNK, CHUNK), :], tv0)
    cp0 = pltpu.async_copy(tv0, shared.at[sidx_v.at[NSUB - 1]], sem, add=True)
    pltpu.sync_copy(t_hbm.at[pl.ds(ebase + NSUB * CHUNK, TAIL), :], tvt)
    cp1 = pltpu.async_copy(tvt, shared.at[sidxt_v], sem, add=True)
    cp0.wait()
    cp1.wait()

    plsc.subcore_barrier()

    @pl.when(sid < 10)
    def _():
        pltpu.sync_copy(shared.at[pl.ds(sid * ZSEG, ZSEG), :],
                        part_hbm.at[cid, pl.ds(sid * ZSEG, ZSEG), :])


def _scatter(t4, sidx, sidxt, zeros2d):
    mesh = plsc.VectorSubcoreMesh(
        core_axis_name="c", subcore_axis_name="s",
        num_cores=NC, num_subcores=NS)
    f = pl.kernel(
        _scatter_body,
        out_type=jax.ShapeDtypeStruct((NC, N, 4), jnp.float32),
        mesh=mesh,
        scratch_types=[
            pltpu.VMEM((NSUB, CHUNK), jnp.int32),
            pltpu.VMEM((TAIL,), jnp.int32),
            pltpu.VMEM((CHUNK, 4), jnp.float32),
            pltpu.VMEM((CHUNK, 4), jnp.float32),
            pltpu.VMEM((TAIL, 4), jnp.float32),
            pltpu.VMEM_SHARED((N, 4), jnp.float32),
            pltpu.SemaphoreType.DMA,
        ],
        compiler_params=pltpu.CompilerParams(needs_layout_passes=False),
    )
    return f(t4, sidx, sidxt, zeros2d)


def _final_body(p_ref, c_ref, out_ref):
    s = jnp.sum(p_ref[...], axis=0, keepdims=True)
    out_ref[...] = c_ref[...] + s * NORM_INV


def _final(part, coordp):
    return pl.pallas_call(
        _final_body,
        in_specs=[
            pl.BlockSpec((NC, N4), lambda: (0, 0)),
            pl.BlockSpec((1, N4), lambda: (0, 0)),
        ],
        out_specs=pl.BlockSpec((1, N4), lambda: (0, 0)),
        out_shape=jax.ShapeDtypeStruct((1, N4), jnp.float32),
    )(part, coordp)


def kernel(h, coord, edge_index, coord_diff, edge_attr, w1, b1, w2, b2, w3):
    row = edge_index[0].astype(jnp.int32)
    col = edge_index[1].astype(jnp.int32)

    w1at = w1[:, :H].T
    w1bt = w1[:, H:2 * H].T
    w_even = jnp.stack([w1at[:, 0::2], w1bt[:, 0::2]])
    w_odd = jnp.stack([w1at[:, 1::2], w1bt[:, 1::2]])
    t_i32 = _project(h, w_even, w_odd).reshape(2 * N, HW)

    rc = jnp.stack([row.reshape(NCHUNK, CHUNK),
                    (col + N).reshape(NCHUNK, CHUNK)], axis=1)
    npad = NW * KMAX - NCHUNK
    pad_idx = (jnp.arange(npad * 2 * CHUNK, dtype=jnp.int32)
               % (2 * N)).reshape(npad, 2, CHUNK)
    rcp = jnp.concatenate([rc, pad_idx], axis=0)
    rcp = rcp.reshape(NW, KMAX * 2, CHUNK)
    g_i32 = _gather(t_i32, rcp)

    w1ct = w1[:, 2 * H:].T
    t4 = _mlp(g_i32, edge_attr, coord_diff,
              w1ct[:, 0::2], w1ct[:, 1::2],
              b1[0::2].reshape(1, HW), b1[1::2].reshape(1, HW),
              w2.T[0::2, :].astype(jnp.bfloat16),
              w2.T[1::2, :].astype(jnp.bfloat16),
              b2.reshape(1, H), w3)

    zeros2d = jnp.zeros((N, 4), jnp.float32)
    rpt = row.reshape(NW, EPT)
    sidx = rpt[:, :NSUB * CHUNK].reshape(NW, NSUB, CHUNK)
    sidxt = rpt[:, NSUB * CHUNK:]
    part = _scatter(t4, sidx, sidxt, zeros2d).reshape(NC, N4)

    coordp = jnp.pad(coord, ((0, 0), (0, 1))).reshape(1, N4)
    out = _final(part, coordp)
    return out.reshape(-1, 4)[:N, :3]

# --- scband reference (transcript-rebuilt; emitter-appended) ---
"""Pipeline reference for scband-equivariant-update-4140348473948 (READ-ONLY COPY).

The authoritative reference and input builder live on the scoring server;
editing this copy changes nothing except your own understanding.
"""

import jax, jax.numpy as jnp
import numpy as np

N = 10000
E = 160000
H = 256
DE = 4
NORM_FACTOR = 100.0
COORDS_RANGE = 10.0


def setup_inputs(seed: int = 0) -> dict:
    key = jax.random.key(seed)
    ks = jax.random.split(key, 8)
    h = jax.random.normal(ks[0], (N, H), dtype=jnp.float32)
    coord = jax.random.normal(ks[1], (N, 3), dtype=jnp.float32)
    edge_index = jax.random.randint(ks[2], (2, E), 0, N, dtype=jnp.int64)
    coord_diff = jax.random.normal(ks[3], (E, 3), dtype=jnp.float32)
    edge_attr = jax.random.normal(ks[4], (E, DE), dtype=jnp.float32)
    in_dim = 2 * H + DE
    w1 = jax.random.normal(ks[5], (H, in_dim), dtype=jnp.float32) * (1.0 / np.sqrt(in_dim))
    b1 = jnp.zeros((H,), dtype=jnp.float32)
    w2 = jax.random.normal(ks[6], (H, H), dtype=jnp.float32) * (1.0 / np.sqrt(H))
    b2 = jnp.zeros((H,), dtype=jnp.float32)
    w3 = jax.random.normal(ks[7], (1, H), dtype=jnp.float32) * 0.001
    return {
        'h': h, 'coord': coord, 'edge_index': edge_index,
        'coord_diff': coord_diff, 'edge_attr': edge_attr,
        'w1': w1, 'b1': b1, 'w2': w2, 'b2': b2, 'w3': w3,
    }


def reference(h, coord, edge_index, coord_diff, edge_attr, w1, b1, w2, b2, w3):
    row = edge_index[0]
    col = edge_index[1]
    inp = jnp.concatenate([h[row], h[col], edge_attr], axis=1)
    x = jax.nn.silu(inp @ w1.T + b1)
    x = jax.nn.silu(x @ w2.T + b2)
    mlp_out = x @ w3.T
    trans = coord_diff * jnp.tanh(mlp_out) * COORDS_RANGE
    agg = jnp.zeros((coord.shape[0], trans.shape[1]), dtype=trans.dtype).at[row].add(trans)
    agg = agg / NORM_FACTOR
    return coord + agg

if __name__ == "__main__":
    import jax
    _d = setup_inputs()
    print(jax.jit(kernel)(*tuple(_d.values())))

</pallas_src>

<mosaic_0001>
#map = affine_map<(d0, d1) -> (0, 0)>
#map1 = affine_map<(d0, d1) -> (0, 0, 0)>
module attributes {stable_mosaic.version = 14 : i64} {
  func.func @_gather_body(%arg0: i32, %arg1: i32, %arg2: memref<20000x128xi32, #tpu.memory_space<hbm>>, %arg3: memref<32x80x128xi32, #tpu.memory_space<hbm>>, %arg4: memref<164000x128xi32, #tpu.memory_space<hbm>>, %arg5: memref<80x128xi32, #tpu.memory_space<vmem>>, %arg6: memref<256x128xi32, #tpu.memory_space<vmem>>, %arg7: memref<256x128xi32, #tpu.memory_space<vmem>>, %arg8: memref<!tpu.dma_semaphore, #tpu.memory_space<semaphore_mem>>, %arg9: memref<!tpu.dma_semaphore, #tpu.memory_space<semaphore_mem>>, %arg10: memref<!tpu.dma_semaphore, #tpu.memory_space<semaphore_mem>>, %arg11: memref<!tpu.dma_semaphore, #tpu.memory_space<semaphore_mem>>) attributes {dimension_semantics = [#tpu.dimension_semantics<core_parallel>, #tpu.dimension_semantics<subcore_parallel>], iteration_bounds = array<i64: 2, 16>, scalar_prefetch = 0 : i64, scratch_operands = 7 : i64, tpu.core_type = #tpu.core_type<sc_vector_subcore>, window_params = [{transform_indices = #map}, {transform_indices = #map1}, {transform_indices = #map}]} {
    %mul3A = arith.constant 2 : i32
    %mul3A_0 = arith.muli %arg1, %mul3A : i32
    %add3A = arith.addi %mul3A_0, %arg0 : i32
    "tpu.region"() ({
      %run_scoped3A = tpu.sem_alloc : memref<!tpu.dma_semaphore, #tpu.memory_space<semaphore_mem>>
      %dma_start3A = arith.constant 0 : i32
      %dma_start3A_6 = arith.constant 0 : i32
      %dma_start3A_7 = tpu.memref_slice %arg3[%add3A, %dma_start3A, %dma_start3A_6] : memref<32x80x128xi32, #tpu.memory_space<hbm>> -> memref<1x80x128xi32, #tpu.memory_space<hbm>>
      %dma_start3A_8 = tpu.memref_squeeze %dma_start3A_7 : memref<1x80x128xi32, #tpu.memory_space<hbm>> -> memref<80x128xi32, #tpu.memory_space<hbm>>
      %dma_start3A_9 = arith.constant 0 : i32
      %dma_start3A_10 = arith.constant 0 : i32
      %dma_start3A_11 = tpu.memref_slice %arg3[%add3A, %dma_start3A_9, %dma_start3A_10] : memref<32x80x128xi32, #tpu.memory_space<hbm>> -> memref<1x80x128xi32, #tpu.memory_space<hbm>>
      %dma_start3A_12 = tpu.memref_squeeze %dma_start3A_11 : memref<1x80x128xi32, #tpu.memory_space<hbm>> -> memref<80x128xi32, #tpu.memory_space<hbm>>
      tpu.enqueue_dma source(%dma_start3A_12 : memref<80x128xi32, #tpu.memory_space<hbm>>) target(%arg5 : memref<80x128xi32, #tpu.memory_space<vmem>>) target_semaphore(%run_scoped3A : memref<!tpu.dma_semaphore, #tpu.memory_space<semaphore_mem>>)
      %dma_wait3A = arith.constant 0 : i32
      %dma_wait3A_13 = arith.constant 0 : i32
      %dma_wait3A_14 = tpu.memref_slice %arg3[%add3A, %dma_wait3A, %dma_wait3A_13] : memref<32x80x128xi32, #tpu.memory_space<hbm>> -> memref<1x80x128xi32, #tpu.memory_space<hbm>>
      %dma_wait3A_15 = tpu.memref_squeeze %dma_wait3A_14 : memref<1x80x128xi32, #tpu.memory_space<hbm>> -> memref<80x128xi32, #tpu.memory_space<hbm>>
      %dma_wait3A_16 = arith.constant 0 : i32
      %dma_wait3A_17 = arith.constant 0 : i32
      %dma_wait3A_18 = tpu.memref_slice %arg3[%add3A, %dma_wait3A_16, %dma_wait3A_17] : memref<32x80x128xi32, #tpu.memory_space<hbm>> -> memref<1x80x128xi32, #tpu.memory_space<hbm>>
      %dma_wait3A_19 = tpu.memref_squeeze %dma_wait3A_18 : memref<1x80x128xi32, #tpu.memory_space<hbm>> -> memref<80x128xi32, #tpu.memory_space<hbm>>
      tpu.wait_dma2 semaphore(%run_scoped3A : memref<!tpu.dma_semaphore, #tpu.memory_space<semaphore_mem>>) src(%dma_wait3A_19 : memref<80x128xi32, #tpu.memory_space<hbm>>) dst(%arg5 : memref<80x128xi32, #tpu.memory_space<vmem>>)
      tpu.yield
    }) : () -> ()
    %scan3A = arith.constant 0 : i32
    %scan3A_1 = arith.constant 0 : i32
    %scan3A_2 = arith.constant 20 : i32
    %scan3A_3 = arith.addi %scan3A_1, %scan3A_2 : i32
    %scan3A_4 = arith.constant 1 : i32
    scf.for %scan3A_6 = %scan3A_1 to %scan3A_3 step %scan3A_4  : i32 {
      %mul3A_7 = arith.constant 2 : i32
      %mul3A_8 = arith.muli %scan3A_6, %mul3A_7 : i32
      %mul3A_9 = arith.constant 2 : i32
      %mul3A_10 = arith.muli %mul3A_8, %mul3A_9 : i32
      %dma_start3A = arith.constant 0 : i32
      %dma_start3A_11 = arith.constant 0 : i32
      %dma_start3A_12 = tpu.memref_slice %arg6[%dma_start3A, %dma_start3A_11] : memref<256x128xi32, #tpu.memory_space<vmem>> -> memref<128x128xi32, #tpu.memory_space<vmem>>
      %dma_start3A_13 = arith.constant 0 : i32
      %dma_start3A_14 = tpu.memref_slice %arg5[%mul3A_10, %dma_start3A_13] : memref<80x128xi32, #tpu.memory_space<vmem>> -> memref<1x128xi32, #tpu.memory_space<vmem>>
      %dma_start3A_15 = tpu.memref_squeeze %dma_start3A_14 : memref<1x128xi32, #tpu.memory_space<vmem>> -> memref<128xi32, #tpu.memory_space<vmem>>
      %dma_start3A_16 = arith.constant 0 : i32
      %dma_start3A_17 = arith.constant 0 : i32
      %dma_start3A_18 = tpu.memref_slice %arg2[%dma_start3A_16, %dma_start3A_17] : memref<20000x128xi32, #tpu.memory_space<hbm>> -> memref<20000x128xi32, #tpu.memory_space<hbm>>
      tpu.enqueue_indirect_dma source(%dma_start3A_18 : memref<20000x128xi32, #tpu.memory_space<hbm>>) target(%dma_start3A_12 : memref<128x128xi32, #tpu.memory_space<vmem>>) offsets(%dma_start3A_15 : memref<128xi32, #tpu.memory_space<vmem>>) semaphore(%arg8 : memref<!tpu.dma_semaphore, #tpu.memory_space<semaphore_mem>>)
      %mul3A_19 = arith.constant 2 : i32
      %mul3A_20 = arith.muli %mul3A_8, %mul3A_19 : i32
      %add3A_21 = arith.constant 1 : i32
      %add3A_22 = arith.addi %mul3A_20, %add3A_21 : i32
      %dma_start3A_23 = arith.constant 128 : i32
      %dma_start3A_24 = arith.constant 0 : i32
      %dma_start3A_25 = tpu.memref_slice %arg6[%dma_start3A_23, %dma_start3A_24] : memref<256x128xi32, #tpu.memory_space<vmem>> -> memref<128x128xi32, #tpu.memory_space<vmem>>
      %dma_start3A_26 = arith.constant 0 : i32
      %dma_start3A_27 = tpu.memref_slice %arg5[%add3A_22, %dma_start3A_26] : memref<80x128xi32, #tpu.memory_space<vmem>> -> memref<1x128xi32, #tpu.memory_space<vmem>>
      %dma_start3A_28 = tpu.memref_squeeze %dma_start3A_27 : memref<1x128xi32, #tpu.memory_space<vmem>> -> memref<128xi32, #tpu.memory_space<vmem>>
      %dma_start3A_29 = arith.constant 0 : i32
      %dma_start3A_30 = arith.constant 0 : i32
      %dma_start3A_31 = tpu.memref_slice %arg2[%dma_start3A_29, %dma_start3A_30] : memref<20000x128xi32, #tpu.memory_space<hbm>> -> memref<20000x128xi32, #tpu.memory_space<hbm>>
      tpu.enqueue_indirect_dma source(%dma_start3A_31 : memref<20000x128xi32, #tpu.memory_space<hbm>>) target(%dma_start3A_25 : memref<128x128xi32, #tpu.memory_space<vmem>>) offsets(%dma_start3A_28 : memref<128xi32, #tpu.memory_space<vmem>>) semaphore(%arg8 : memref<!tpu.dma_semaphore, #tpu.memory_space<semaphore_mem>>)
      %add3A_32 = arith.constant 1 : i32
      %add3A_33 = arith.addi %mul3A_8, %add3A_32 : i32
      %mul3A_34 = arith.constant 2 : i32
      %mul3A_35 = arith.muli %add3A_33, %mul3A_34 : i32
      %dma_start3A_36 = arith.constant 0 : i32
      %dma_start3A_37 = arith.constant 0 : i32
      %dma_start3A_38 = tpu.memref_slice %arg7[%dma_start3A_36, %dma_start3A_37] : memref<256x128xi32, #tpu.memory_space<vmem>> -> memref<128x128xi32, #tpu.memory_space<vmem>>
      %dma_start3A_39 = arith.constant 0 : i32
      %dma_start3A_40 = tpu.memref_slice %arg5[%mul3A_35, %dma_start3A_39] : memref<80x128xi32, #tpu.memory_space<vmem>> -> memref<1x128xi32, #tpu.memory_space<vmem>>
      %dma_start3A_41 = tpu.memref_squeeze %dma_start3A_40 : memref<1x128xi32, #tpu.memory_space<vmem>> -> memref<128xi32, #tpu.memory_space<vmem>>
      %dma_start3A_42 = arith.constant 0 : i32
      %dma_start3A_43 = arith.constant 0 : i32
      %dma_start3A_44 = tpu.memref_slice %arg2[%dma_start3A_42, %dma_start3A_43] : memref<20000x128xi32, #tpu.memory_space<hbm>> -> memref<20000x128xi32, #tpu.memory_space<hbm>>
      tpu.enqueue_indirect_dma source(%dma_start3A_44 : memref<20000x128xi32, #tpu.memory_space<hbm>>) target(%dma_start3A_38 : memref<128x128xi32, #tpu.memory_space<vmem>>) offsets(%dma_start3A_41 : memref<128xi32, #tpu.memory_space<vmem>>) semaphore(%arg9 : memref<!tpu.dma_semaphore, #tpu.memory_space<semaphore_mem>>)
      %mul3A_45 = arith.constant 2 : i32
      %mul3A_46 = arith.muli %add3A_33, %mul3A_45 : i32
      %add3A_47 = arith.constant 1 : i32
      %add3A_48 = arith.addi %mul3A_46, %add3A_47 : i32
      %dma_start3A_49 = arith.constant 128 : i32
      %dma_start3A_50 = arith.constant 0 : i32
      %dma_start3A_51 = tpu.memref_slice %arg7[%dma_start3A_49, %dma_start3A_50] : memref<256x128xi32, #tpu.memory_space<vmem>> -> memref<128x128xi32, #tpu.memory_space<vmem>>
      %dma_start3A_52 = arith.constant 0 : i32
      %dma_start3A_53 = tpu.memref_slice %arg5[%add3A_48, %dma_start3A_52] : memref<80x128xi32, #tpu.memory_space<vmem>> -> memref<1x128xi32, #tpu.memory_space<vmem>>
      %dma_start3A_54 = tpu.memref_squeeze %dma_start3A_53 : memref<1x128xi32, #tpu.memory_space<vmem>> -> memref<128xi32, #tpu.memory_space<vmem>>
      %dma_start3A_55 = arith.constant 0 : i32
      %dma_start3A_56 = arith.constant 0 : i32
      %dma_start3A_57 = tpu.memref_slice %arg2[%dma_start3A_55, %dma_start3A_56] : memref<20000x128xi32, #tpu.memory_space<hbm>> -> memref<20000x128xi32, #tpu.memory_space<hbm>>
      tpu.enqueue_indirect_dma source(%dma_start3A_57 : memref<20000x128xi32, #tpu.memory_space<hbm>>) target(%dma_start3A_51 : memref<128x128xi32, #tpu.memory_space<vmem>>) offsets(%dma_start3A_54 : memref<128xi32, #tpu.memory_space<vmem>>) semaphore(%arg9 : memref<!tpu.dma_semaphore, #tpu.memory_space<semaphore_mem>>)
      %dma_wait3A = arith.constant 0 : i32
      %dma_wait3A_58 = arith.constant 0 : i32
      %dma_wait3A_59 = tpu.memref_slice %arg6[%dma_wait3A, %dma_wait3A_58] : memref<256x128xi32, #tpu.memory_space<vmem>> -> memref<128x128xi32, #tpu.memory_space<vmem>>
      %dma_wait3A_60 = arith.constant 0 : i32
      %dma_wait3A_61 = tpu.memref_slice %arg5[%mul3A_10, %dma_wait3A_60] : memref<80x128xi32, #tpu.memory_space<vmem>> -> memref<1x128xi32, #tpu.memory_space<vmem>>
      %dma_wait3A_62 = tpu.memref_squeeze %dma_wait3A_61 : memref<1x128xi32, #tpu.memory_space<vmem>> -> memref<128xi32, #tpu.memory_space<vmem>>
      %dma_wait3A_63 = arith.constant 0 : i32
      %dma_wait3A_64 = arith.constant 0 : i32
      %dma_wait3A_65 = tpu.memref_slice %arg2[%dma_wait3A_63, %dma_wait3A_64] : memref<20000x128xi32, #tpu.memory_space<hbm>> -> memref<20000x128xi32, #tpu.memory_space<hbm>>
      tpu.wait_indirect_dma semaphore(%arg8 : memref<!tpu.dma_semaphore, #tpu.memory_space<semaphore_mem>>) src(%dma_wait3A_65 : memref<20000x128xi32, #tpu.memory_space<hbm>>) dst(%dma_wait3A_59 : memref<128x128xi32, #tpu.memory_space<vmem>>)
      %dma_wait3A_66 = arith.constant 128 : i32
      %dma_wait3A_67 = arith.constant 0 : i32
      %dma_wait3A_68 = tpu.memref_slice %arg6[%dma_wait3A_66, %dma_wait3A_67] : memref<256x128xi32, #tpu.memory_space<vmem>> -> memref<128x128xi32, #tpu.memory_space<vmem>>
      %dma_wait3A_69 = arith.constant 0 : i32
      %dma_wait3A_70 = tpu.memref_slice %arg5[%add3A_22, %dma_wait3A_69] : memref<80x128xi32, #tpu.memory_space<vmem>> -> memref<1x128xi32, #tpu.memory_space<vmem>>
      %dma_wait3A_71 = tpu.memref_squeeze %dma_wait3A_70 : memref<1x128xi32, #tpu.memory_space<vmem>> -> memref<128xi32, #tpu.memory_space<vmem>>
      %dma_wait3A_72 = arith.constant 0 : i32
      %dma_wait3A_73 = arith.constant 0 : i32
      %dma_wait3A_74 = tpu.memref_slice %arg2[%dma_wait3A_72, %dma_wait3A_73] : memref<20000x128xi32, #tpu.memory_space<hbm>> -> memref<20000x128xi32, #tpu.memory_space<hbm>>
      tpu.wait_indirect_dma semaphore(%arg8 : memref<!tpu.dma_semaphore, #tpu.memory_space<semaphore_mem>>) src(%dma_wait3A_74 : memref<20000x128xi32, #tpu.memory_space<hbm>>) dst(%dma_wait3A_68 : memref<128x128xi32, #tpu.memory_space<vmem>>)
      %scan3A_75 = arith.constant 0 : i32
      %scan3A_76 = arith.constant 0 : i32
      %scan3A_77 = arith.constant 128 : i32
      %scan3A_78 = arith.addi %scan3A_76, %scan3A_77 : i32
      %scan3A_79 = arith.constant 1 : i32
      scf.for %scan3A_163 = %scan3A_76 to %scan3A_78 step %scan3A_79  : i32 {
        %get3A = arith.index_cast %scan3A_163 : i32 to index
        %get3A_164 = arith.constant 0 : index
        %get3A_165 = tpu.vector_load %arg6[%get3A, %get3A_164] {strides = array<i32>} : memref<256x128xi32, #tpu.memory_space<vmem>>, vector<16xi32>,
        %bitcast3A = vector.bitcast %get3A_165 : vector<16xi32> to vector<32xbf16>
        %add3A_166 = arith.constant 128 : i32
        %add3A_167 = arith.addi %scan3A_163, %add3A_166 : i32
        %get3A_168 = arith.index_cast %add3A_167 : i32 to index
        %get3A_169 = arith.constant 0 : index
        %get3A_170 = tpu.vector_load %arg6[%get3A_168, %get3A_169] {strides = array<i32>} : memref<256x128xi32, #tpu.memory_space<vmem>>, vector<16xi32>,
        %bitcast3A_171 = vector.bitcast %get3A_170 : vector<16xi32> to vector<32xbf16>
        %add3A_172 = arith.addf %bitcast3A, %bitcast3A_171 : vector<32xbf16>
        %bitcast3A_173 = vector.bitcast %add3A_172 : vector<32xbf16> to vector<16xi32>
        %swap3A = arith.index_cast %scan3A_163 : i32 to index
        %swap3A_174 = arith.constant 0 : index
        %swap3A_175 = tpu.vector_load %arg6[%swap3A, %swap3A_174] {strides = array<i32>} : memref<256x128xi32, #tpu.memory_space<vmem>>, vector<16xi32>,
        tpu.vector_store %arg6[%swap3A, %swap3A_174], %bitcast3A_173 {strides = array<i32>} : memref<256x128xi32, #tpu.memory_space<vmem>>, vector<16xi32>,
        %get3A_176 = arith.index_cast %scan3A_163 : i32 to index
        %get3A_177 = arith.constant 16 : index
        %get3A_178 = tpu.vector_load %arg6[%get3A_176, %get3A_177] {strides = array<i32>} : memref<256x128xi32, #tpu.memory_space<vmem>>, vector<16xi32>,
        %bitcast3A_179 = vector.bitcast %get3A_178 : vector<16xi32> to vector<32xbf16>
        %add3A_180 = arith.constant 128 : i32
        %add3A_181 = arith.addi %scan3A_163, %add3A_180 : i32
        %get3A_182 = arith.index_cast %add3A_181 : i32 to index
        %get3A_183 = arith.constant 16 : index
        %get3A_184 = tpu.vector_load %arg6[%get3A_182, %get3A_183] {strides = array<i32>} : memref<256x128xi32, #tpu.memory_space<vmem>>, vector<16xi32>,
        %bitcast3A_185 = vector.bitcast %get3A_184 : vector<16xi32> to vector<32xbf16>
        %add3A_186 = arith.addf %bitcast3A_179, %bitcast3A_185 : vector<32xbf16>
        %bitcast3A_187 = vector.bitcast %add3A_186 : vector<32xbf16> to vector<16xi32>
        %swap3A_188 = arith.index_cast %scan3A_163 : i32 to index
        %swap3A_189 = arith.constant 16 : index
        %swap3A_190 = tpu.vector_load %arg6[%swap3A_188, %swap3A_189] {strides = array<i32>} : memref<256x128xi32, #tpu.memory_space<vmem>>, vector<16xi32>,
        tpu.vector_store %arg6[%swap3A_188, %swap3A_189], %bitcast3A_187 {strides = array<i32>} : memref<256x128xi32, #tpu.memory_space<vmem>>, vector<16xi32>,
        %get3A_191 = arith.index_cast %scan3A_163 : i32 to index
        %get3A_192 = arith.constant 32 : index
        %get3A_193 = tpu.vector_load %arg6[%get3A_191, %get3A_192] {strides = array<i32>} : memref<256x128xi32, #tpu.memory_space<vmem>>, vector<16xi32>,
        %bitcast3A_194 = vector.bitcast %get3A_193 : vector<16xi32> to vector<32xbf16>
        %add3A_195 = arith.constant 128 : i32
        %add3A_196 = arith.addi %scan3A_163, %add3A_195 : i32
        %get3A_197 = arith.index_cast %add3A_196 : i32 to index
        %get3A_198 = arith.constant 32 : index
        %get3A_199 = tpu.vector_load %arg6[%get3A_197, %get3A_198] {strides = array<i32>} : memref<256x128xi32, #tpu.memory_space<vmem>>, vector<16xi32>,
        %bitcast3A_200 = vector.bitcast %get3A_199 : vector<16xi32> to vector<32xbf16>
        %add3A_201 = arith.addf %bitcast3A_194, %bitcast3A_200 : vector<32xbf16>
        %bitcast3A_202 = vector.bitcast %add3A_201 : vector<32xbf16> to vector<16xi32>
        %swap3A_203 = arith.index_cast %scan3A_163 : i32 to index
        %swap3A_204 = arith.constant 32 : index
        %swap3A_205 = tpu.vector_load %arg6[%swap3A_203, %swap3A_204] {strides = array<i32>} : memref<256x128xi32, #tpu.memory_space<vmem>>, vector<16xi32>,
        tpu.vector_store %arg6[%swap3A_203, %swap3A_204], %bitcast3A_202 {strides = array<i32>} : memref<256x128xi32, #tpu.memory_space<vmem>>, vector<16xi32>,
        %get3A_206 = arith.index_cast %scan3A_163 : i32 to index
        %get3A_207 = arith.constant 48 : index
        %get3A_208 = tpu.vector_load %arg6[%get3A_206, %get3A_207] {strides = array<i32>} : memref<256x128xi32, #tpu.memory_space<vmem>>, vector<16xi32>,
        %bitcast3A_209 = vector.bitcast %get3A_208 : vector<16xi32> to vector<32xbf16>
        %add3A_210 = arith.constant 128 : i32
        %add3A_211 = arith.addi %scan3A_163, %add3A_210 : i32
        %get3A_212 = arith.index_cast %add3A_211 : i32 to index
        %get3A_213 = arith.constant 48 : index
        %get3A_214 = tpu.vector_load %arg6[%get3A_212, %get3A_213] {strides = array<i32>} : memref<256x128xi32, #tpu.memory_space<vmem>>, vector<16xi32>,
        %bitcast3A_215 = vector.bitcast %get3A_214 : vector<16xi32> to vector<32xbf16>
        %add3A_216 = arith.addf %bitcast3A_209, %bitcast3A_215 : vector<32xbf16>
        %bitcast3A_217 = vector.bitcast %add3A_216 : vector<32xbf16> to vector<16xi32>
        %swap3A_218 = arith.index_cast %scan3A_163 : i32 to index
        %swap3A_219 = arith.constant 48 : index
        %swap3A_220 = tpu.vector_load %arg6[%swap3A_218, %swap3A_219] {strides = array<i32>} : memref<256x128xi32, #tpu.memory_space<vmem>>, vector<16xi32>,
        tpu.vector_store %arg6[%swap3A_218, %swap3A_219], %bitcast3A_217 {strides = array<i32>} : memref<256x128xi32, #tpu.memory_space<vmem>>, vector<16xi32>,
        %get3A_221 = arith.index_cast %scan3A_163 : i32 to index
        %get3A_222 = arith.constant 64 : index
        %get3A_223 = tpu.vector_load %arg6[%get3A_221, %get3A_222] {strides = array<i32>} : memref<256x128xi32, #tpu.memory_space<vmem>>, vector<16xi32>,
        %bitcast3A_224 = vector.bitcast %get3A_223 : vector<16xi32> to vector<32xbf16>
        %add3A_225 = arith.constant 128 : i32
        %add3A_226 = arith.addi %scan3A_163, %add3A_225 : i32
        %get3A_227 = arith.index_cast %add3A_226 : i32 to index
        %get3A_228 = arith.constant 64 : index
        %get3A_229 = tpu.vector_load %arg6[%get3A_227, %get3A_228] {strides = array<i32>} : memref<256x128xi32, #tpu.memory_space<vmem>>, vector<16xi32>,
        %bitcast3A_230 = vector.bitcast %get3A_229 : vector<16xi32> to vector<32xbf16>
        %add3A_231 = arith.addf %bitcast3A_224, %bitcast3A_230 : vector<32xbf16>
        %bitcast3A_232 = vector.bitcast %add3A_231 : vector<32xbf16> to vector<16xi32>
        %swap3A_233 = arith.index_cast %scan3A_163 : i32 to index
        %swap3A_234 = arith.constant 64 : index
        %swap3A_235 = tpu.vector_load %arg6[%swap3A_233, %swap3A_234] {strides = array<i32>} : memref<256x128xi32, #tpu.memory_space<vmem>>, vector<16xi32>,
        tpu.vector_store %arg6[%swap3A_233, %swap3A_234], %bitcast3A_232 {strides = array<i32>} : memref<256x128xi32, #tpu.memory_space<vmem>>, vector<16xi32>,
        %get3A_236 = arith.index_cast %scan3A_163 : i32 to index
        %get3A_237 = arith.constant 80 : index
        %get3A_238 = tpu.vector_load %arg6[%get3A_236, %get3A_237] {strides = array<i32>} : memref<256x128xi32, #tpu.memory_space<vmem>>, vector<16xi32>,
        %bitcast3A_239 = vector.bitcast %get3A_238 : vector<16xi32> to vector<32xbf16>
        %add3A_240 = arith.constant 128 : i32
        %add3A_241 = arith.addi %scan3A_163, %add3A_240 : i32
        %get3A_242 = arith.index_cast %add3A_241 : i32 to index
        %get3A_243 = arith.constant 80 : index
        %get3A_244 = tpu.vector_load %arg6[%get3A_242, %get3A_243] {strides = array<i32>} : memref<256x128xi32, #tpu.memory_space<vmem>>, vector<16xi32>,
        %bitcast3A_245 = vector.bitcast %get3A_244 : vector<16xi32> to vector<32xbf16>
        %add3A_246 = arith.addf %bitcast3A_239, %bitcast3A_245 : vector<32xbf16>
        %bitcast3A_247 = vector.bitcast %add3A_246 : vector<32xbf16> to vector<16xi32>
        %swap3A_248 = arith.index_cast %scan3A_163 : i32 to index
        %swap3A_249 = arith.constant 80 : index
        %swap3A_250 = tpu.vector_load %arg6[%swap3A_248, %swap3A_249] {strides = array<i32>} : memref<256x128xi32, #tpu.memory_space<vmem>>, vector<16xi32>,
        tpu.vector_store %arg6[%swap3A_248, %swap3A_249], %bitcast3A_247 {strides = array<i32>} : memref<256x128xi32, #tpu.memory_space<vmem>>, vector<16xi32>,
        %get3A_251 = arith.index_cast %scan3A_163 : i32 to index
        %get3A_252 = arith.constant 96 : index
        %get3A_253 = tpu.vector_load %arg6[%get3A_251, %get3A_252] {strides = array<i32>} : memref<256x128xi32, #tpu.memory_space<vmem>>, vector<16xi32>,
        %bitcast3A_254 = vector.bitcast %get3A_253 : vector<16xi32> to vector<32xbf16>
        %add3A_255 = arith.constant 128 : i32
        %add3A_256 = arith.addi %scan3A_163, %add3A_255 : i32
        %get3A_257 = arith.index_cast %add3A_256 : i32 to index
        %get3A_258 = arith.constant 96 : index
        %get3A_259 = tpu.vector_load %arg6[%get3A_257, %get3A_258] {strides = array<i32>} : memref<256x128xi32, #tpu.memory_space<vmem>>, vector<16xi32>,
        %bitcast3A_260 = vector.bitcast %get3A_259 : vector<16xi32> to vector<32xbf16>
        %add3A_261 = arith.addf %bitcast3A_254, %bitcast3A_260 : vector<32xbf16>
        %bitcast3A_262 = vector.bitcast %add3A_261 : vector<32xbf16> to vector<16xi32>
        %swap3A_263 = arith.index_cast %scan3A_163 : i32 to index
        %swap3A_264 = arith.constant 96 : index
        %swap3A_265 = tpu.vector_load %arg6[%swap3A_263, %swap3A_264] {strides = array<i32>} : memref<256x128xi32, #tpu.memory_space<vmem>>, vector<16xi32>,
        tpu.vector_store %arg6[%swap3A_263, %swap3A_264], %bitcast3A_262 {strides = array<i32>} : memref<256x128xi32, #tpu.memory_space<vmem>>, vector<16xi32>,
        %get3A_266 = arith.index_cast %scan3A_163 : i32 to index
        %get3A_267 = arith.constant 112 : index
        %get3A_268 = tpu.vector_load %arg6[%get3A_266, %get3A_267] {strides = array<i32>} : memref<256x128xi32, #tpu.memory_space<vmem>>, vector<16xi32>,
        %bitcast3A_269 = vector.bitcast %get3A_268 : vector<16xi32> to vector<32xbf16>
        %add3A_270 = arith.constant 128 : i32
        %add3A_271 = arith.addi %scan3A_163, %add3A_270 : i32
        %get3A_272 = arith.index_cast %add3A_271 : i32 to index
        %get3A_273 = arith.constant 112 : index
        %get3A_274 = tpu.vector_load %arg6[%get3A_272, %get3A_273] {strides = array<i32>} : memref<256x128xi32, #tpu.memory_space<vmem>>, vector<16xi32>,
        %bitcast3A_275 = vector.bitcast %get3A_274 : vector<16xi32> to vector<32xbf16>
        %add3A_276 = arith.addf %bitcast3A_269, %bitcast3A_275 : vector<32xbf16>
        %bitcast3A_277 = vector.bitcast %add3A_276 : vector<32xbf16> to vector<16xi32>
        %swap3A_278 = arith.index_cast %scan3A_163 : i32 to index
        %swap3A_279 = arith.constant 112 : index
        %swap3A_280 = tpu.vector_load %arg6[%swap3A_278, %swap3A_279] {strides = array<i32>} : memref<256x128xi32, #tpu.memory_space<vmem>>, vector<16xi32>,
        tpu.vector_store %arg6[%swap3A_278, %swap3A_279], %bitcast3A_277 {strides = array<i32>} : memref<256x128xi32, #tpu.memory_space<vmem>>, vector<16xi32>,
      }
      %scan3A_80 = arith.constant 128 : i32
      %mul3A_81 = arith.constant 40 : i32
      %mul3A_82 = arith.muli %add3A, %mul3A_81 : i32
      %add3A_83 = arith.addi %mul3A_82, %mul3A_8 : i32
      %lt3A = arith.constant 1250 : i32
      %lt3A_84 = arith.cmpi slt, %add3A_83, %lt3A : i32
      %jit3A = arith.constant 1250 : i32
      %select_n3A = arith.select %lt3A_84, %add3A_83, %jit3A : i32
      %mul3A_85 = arith.constant 128 : i32
      %mul3A_86 = arith.muli %select_n3A, %mul3A_85 : i32
      %multiple_of3A = tpu.assume_multiple %mul3A_86, 128 : i32
      %dma_start3A_87 = arith.constant 0 : i32
      %dma_start3A_88 = arith.constant 0 : i32
      %dma_start3A_89 = tpu.memref_slice %arg6[%dma_start3A_87, %dma_start3A_88] : memref<256x128xi32, #tpu.memory_space<vmem>> -> memref<128x128xi32, #tpu.memory_space<vmem>>
      %dma_start3A_90 = arith.constant 0 : i32
      %dma_start3A_91 = tpu.memref_slice %arg4[%multiple_of3A, %dma_start3A_90] : memref<164000x128xi32, #tpu.memory_space<hbm>> -> memref<128x128xi32, #tpu.memory_space<hbm>>
      %dma_start3A_92 = arith.constant 0 : i32
      %dma_start3A_93 = tpu.memref_slice %arg4[%multiple_of3A, %dma_start3A_92] : memref<164000x128xi32, #tpu.memory_space<hbm>> -> memref<128x128xi32, #tpu.memory_space<hbm>>
      %dma_start3A_94 = arith.constant 0 : i32
      %dma_start3A_95 = arith.constant 0 : i32
      %dma_start3A_96 = tpu.memref_slice %arg6[%dma_start3A_94, %dma_start3A_95] : memref<256x128xi32, #tpu.memory_space<vmem>> -> memref<128x128xi32, #tpu.memory_space<vmem>>
      tpu.enqueue_dma source(%dma_start3A_96 : memref<128x128xi32, #tpu.memory_space<vmem>>) target(%dma_start3A_93 : memref<128x128xi32, #tpu.memory_space<hbm>>) target_semaphore(%arg10 : memref<!tpu.dma_semaphore, #tpu.memory_space<semaphore_mem>>)
      %dma_wait3A_97 = arith.constant 0 : i32
      %dma_wait3A_98 = arith.constant 0 : i32
      %dma_wait3A_99 = tpu.memref_slice %arg7[%dma_wait3A_97, %dma_wait3A_98] : memref<256x128xi32, #tpu.memory_space<vmem>> -> memref<128x128xi32, #tpu.memory_space<vmem>>
      %dma_wait3A_100 = arith.constant 0 : i32
      %dma_wait3A_101 = tpu.memref_slice %arg5[%mul3A_35, %dma_wait3A_100] : memref<80x128xi32, #tpu.memory_space<vmem>> -> memref<1x128xi32, #tpu.memory_space<vmem>>
      %dma_wait3A_102 = tpu.memref_squeeze %dma_wait3A_101 : memref<1x128xi32, #tpu.memory_space<vmem>> -> memref<128xi32, #tpu.memory_space<vmem>>
      %dma_wait3A_103 = arith.constant 0 : i32
      %dma_wait3A_104 = arith.constant 0 : i32
      %dma_wait3A_105 = tpu.memref_slice %arg2[%dma_wait3A_103, %dma_wait3A_104] : memref<20000x128xi32, #tpu.memory_space<hbm>> -> memref<20000x128xi32, #tpu.memory_space<hbm>>
      tpu.wait_indirect_dma semaphore(%arg9 : memref<!tpu.dma_semaphore, #tpu.memory_space<semaphore_mem>>) src(%dma_wait3A_105 : memref<20000x128xi32, #tpu.memory_space<hbm>>) dst(%dma_wait3A_99 : memref<128x128xi32, #tpu.memory_space<vmem>>)
      %dma_wait3A_106 = arith.constant 128 : i32
      %dma_wait3A_107 = arith.constant 0 : i32
      %dma_wait3A_108 = tpu.memref_slice %arg7[%dma_wait3A_106, %dma_wait3A_107] : memref<256x128xi32, #tpu.memory_space<vmem>> -> memref<128x128xi32, #tpu.memory_space<vmem>>
      %dma_wait3A_109 = arith.constant 0 : i32
      %dma_wait3A_110 = tpu.memref_slice %arg5[%add3A_48, %dma_wait3A_109] : memref<80x128xi32, #tpu.memory_space<vmem>> -> memref<1x128xi32, #tpu.memory_space<vmem>>
      %dma_wait3A_111 = tpu.memref_squeeze %dma_wait3A_110 : memref<1x128xi32, #tpu.memory_space<vmem>> -> memref<128xi32, #tpu.memory_space<vmem>>
      %dma_wait3A_112 = arith.constant 0 : i32
      %dma_wait3A_113 = arith.constant 0 : i32
      %dma_wait3A_114 = tpu.memref_slice %arg2[%dma_wait3A_112, %dma_wait3A_113] : memref<20000x128xi32, #tpu.memory_space<hbm>> -> memref<20000x128xi32, #tpu.memory_space<hbm>>
      tpu.wait_indirect_dma semaphore(%arg9 : memref<!tpu.dma_semaphore, #tpu.memory_space<semaphore_mem>>) src(%dma_wait3A_114 : memref<20000x128xi32, #tpu.memory_space<hbm>>) dst(%dma_wait3A_108 : memref<128x128xi32, #tpu.memory_space<vmem>>)
      %scan3A_115 = arith.constant 0 : i32
      %scan3A_116 = arith.constant 0 : i32
      %scan3A_117 = arith.constant 128 : i32
      %scan3A_118 = arith.addi %scan3A_116, %scan3A_117 : i32
      %scan3A_119 = arith.constant 1 : i32
      scf.for %scan3A_163 = %scan3A_116 to %scan3A_118 step %scan3A_119  : i32 {
        %get3A = arith.index_cast %scan3A_163 : i32 to index
        %get3A_164 = arith.constant 0 : index
        %get3A_165 = tpu.vector_load %arg7[%get3A, %get3A_164] {strides = array<i32>} : memref<256x128xi32, #tpu.memory_space<vmem>>, vector<16xi32>,
        %bitcast3A = vector.bitcast %get3A_165 : vector<16xi32> to vector<32xbf16>
        %add3A_166 = arith.constant 128 : i32
        %add3A_167 = arith.addi %scan3A_163, %add3A_166 : i32
        %get3A_168 = arith.index_cast %add3A_167 : i32 to index
        %get3A_169 = arith.constant 0 : index
        %get3A_170 = tpu.vector_load %arg7[%get3A_168, %get3A_169] {strides = array<i32>} : memref<256x128xi32, #tpu.memory_space<vmem>>, vector<16xi32>,
        %bitcast3A_171 = vector.bitcast %get3A_170 : vector<16xi32> to vector<32xbf16>
        %add3A_172 = arith.addf %bitcast3A, %bitcast3A_171 : vector<32xbf16>
        %bitcast3A_173 = vector.bitcast %add3A_172 : vector<32xbf16> to vector<16xi32>
        %swap3A = arith.index_cast %scan3A_163 : i32 to index
        %swap3A_174 = arith.constant 0 : index
        %swap3A_175 = tpu.vector_load %arg7[%swap3A, %swap3A_174] {strides = array<i32>} : memref<256x128xi32, #tpu.memory_space<vmem>>, vector<16xi32>,
        tpu.vector_store %arg7[%swap3A, %swap3A_174], %bitcast3A_173 {strides = array<i32>} : memref<256x128xi32, #tpu.memory_space<vmem>>, vector<16xi32>,
        %get3A_176 = arith.index_cast %scan3A_163 : i32 to index
        %get3A_177 = arith.constant 16 : index
        %get3A_178 = tpu.vector_load %arg7[%get3A_176, %get3A_177] {strides = array<i32>} : memref<256x128xi32, #tpu.memory_space<vmem>>, vector<16xi32>,
        %bitcast3A_179 = vector.bitcast %get3A_178 : vector<16xi32> to vector<32xbf16>
        %add3A_180 = arith.constant 128 : i32
        %add3A_181 = arith.addi %scan3A_163, %add3A_180 : i32
        %get3A_182 = arith.index_cast %add3A_181 : i32 to index
        %get3A_183 = arith.constant 16 : index
        %get3A_184 = tpu.vector_load %arg7[%get3A_182, %get3A_183] {strides = array<i32>} : memref<256x128xi32, #tpu.memory_space<vmem>>, vector<16xi32>,
        %bitcast3A_185 = vector.bitcast %get3A_184 : vector<16xi32> to vector<32xbf16>
        %add3A_186 = arith.addf %bitcast3A_179, %bitcast3A_185 : vector<32xbf16>
        %bitcast3A_187 = vector.bitcast %add3A_186 : vector<32xbf16> to vector<16xi32>
        %swap3A_188 = arith.index_cast %scan3A_163 : i32 to index
        %swap3A_189 = arith.constant 16 : index
        %swap3A_190 = tpu.vector_load %arg7[%swap3A_188, %swap3A_189] {strides = array<i32>} : memref<256x128xi32, #tpu.memory_space<vmem>>, vector<16xi32>,
        tpu.vector_store %arg7[%swap3A_188, %swap3A_189], %bitcast3A_187 {strides = array<i32>} : memref<256x128xi32, #tpu.memory_space<vmem>>, vector<16xi32>,
        %get3A_191 = arith.index_cast %scan3A_163 : i32 to index
        %get3A_192 = arith.constant 32 : index
        %get3A_193 = tpu.vector_load %arg7[%get3A_191, %get3A_192] {strides = array<i32>} : memref<256x128xi32, #tpu.memory_space<vmem>>, vector<16xi32>,
        %bitcast3A_194 = vector.bitcast %get3A_193 : vector<16xi32> to vector<32xbf16>
        %add3A_195 = arith.constant 128 : i32
        %add3A_196 = arith.addi %scan3A_163, %add3A_195 : i32
        %get3A_197 = arith.index_cast %add3A_196 : i32 to index
        %get3A_198 = arith.constant 32 : index
        %get3A_199 = tpu.vector_load %arg7[%get3A_197, %get3A_198] {strides = array<i32>} : memref<256x128xi32, #tpu.memory_space<vmem>>, vector<16xi32>,
        %bitcast3A_200 = vector.bitcast %get3A_199 : vector<16xi32> to vector<32xbf16>
        %add3A_201 = arith.addf %bitcast3A_194, %bitcast3A_200 : vector<32xbf16>
        %bitcast3A_202 = vector.bitcast %add3A_201 : vector<32xbf16> to vector<16xi32>
        %swap3A_203 = arith.index_cast %scan3A_163 : i32 to index
        %swap3A_204 = arith.constant 32 : index
        %swap3A_205 = tpu.vector_load %arg7[%swap3A_203, %swap3A_204] {strides = array<i32>} : memref<256x128xi32, #tpu.memory_space<vmem>>, vector<16xi32>,
        tpu.vector_store %arg7[%swap3A_203, %swap3A_204], %bitcast3A_202 {strides = array<i32>} : memref<256x128xi32, #tpu.memory_space<vmem>>, vector<16xi32>,
        %get3A_206 = arith.index_cast %scan3A_163 : i32 to index
        %get3A_207 = arith.constant 48 : index
        %get3A_208 = tpu.vector_load %arg7[%get3A_206, %get3A_207] {strides = array<i32>} : memref<256x128xi32, #tpu.memory_space<vmem>>, vector<16xi32>,
        %bitcast3A_209 = vector.bitcast %get3A_208 : vector<16xi32> to vector<32xbf16>
        %add3A_210 = arith.constant 128 : i32
        %add3A_211 = arith.addi %scan3A_163, %add3A_210 : i32
        %get3A_212 = arith.index_cast %add3A_211 : i32 to index
        %get3A_213 = arith.constant 48 : index
        %get3A_214 = tpu.vector_load %arg7[%get3A_212, %get3A_213] {strides = array<i32>} : memref<256x128xi32, #tpu.memory_space<vmem>>, vector<16xi32>,
        %bitcast3A_215 = vector.bitcast %get3A_214 : vector<16xi32> to vector<32xbf16>
        %add3A_216 = arith.addf %bitcast3A_209, %bitcast3A_215 : vector<32xbf16>
        %bitcast3A_217 = vector.bitcast %add3A_216 : vector<32xbf16> to vector<16xi32>
        %swap3A_218 = arith.index_cast %scan3A_163 : i32 to index
        %swap3A_219 = arith.constant 48 : index
        %swap3A_220 = tpu.vector_load %arg7[%swap3A_218, %swap3A_219] {strides = array<i32>} : memref<256x128xi32, #tpu.memory_space<vmem>>, vector<16xi32>,
        tpu.vector_store %arg7[%swap3A_218, %swap3A_219], %bitcast3A_217 {strides = array<i32>} : memref<256x128xi32, #tpu.memory_space<vmem>>, vector<16xi32>,
        %get3A_221 = arith.index_cast %scan3A_163 : i32 to index
        %get3A_222 = arith.constant 64 : index
        %get3A_223 = tpu.vector_load %arg7[%get3A_221, %get3A_222] {strides = array<i32>} : memref<256x128xi32, #tpu.memory_space<vmem>>, vector<16xi32>,
        %bitcast3A_224 = vector.bitcast %get3A_223 : vector<16xi32> to vector<32xbf16>
        %add3A_225 = arith.constant 128 : i32
        %add3A_226 = arith.addi %scan3A_163, %add3A_225 : i32
        %get3A_227 = arith.index_cast %add3A_226 : i32 to index
        %get3A_228 = arith.constant 64 : index
        %get3A_229 = tpu.vector_load %arg7[%get3A_227, %get3A_228] {strides = array<i32>} : memref<256x128xi32, #tpu.memory_space<vmem>>, vector<16xi32>,
        %bitcast3A_230 = vector.bitcast %get3A_229 : vector<16xi32> to vector<32xbf16>
        %add3A_231 = arith.addf %bitcast3A_224, %bitcast3A_230 : vector<32xbf16>
        %bitcast3A_232 = vector.bitcast %add3A_231 : vector<32xbf16> to vector<16xi32>
        %swap3A_233 = arith.index_cast %scan3A_163 : i32 to index
        %swap3A_234 = arith.constant 64 : index
        %swap3A_235 = tpu.vector_load %arg7[%swap3A_233, %swap3A_234] {strides = array<i32>} : memref<256x128xi32, #tpu.memory_space<vmem>>, vector<16xi32>,
        tpu.vector_store %arg7[%swap3A_233, %swap3A_234], %bitcast3A_232 {strides = array<i32>} : memref<256x128xi32, #tpu.memory_space<vmem>>, vector<16xi32>,
        %get3A_236 = arith.index_cast %scan3A_163 : i32 to index
        %get3A_237 = arith.constant 80 : index
        %get3A_238 = tpu.vector_load %arg7[%get3A_236, %get3A_237] {strides = array<i32>} : memref<256x128xi32, #tpu.memory_space<vmem>>, vector<16xi32>,
        %bitcast3A_239 = vector.bitcast %get3A_238 : vector<16xi32> to vector<32xbf16>
        %add3A_240 = arith.constant 128 : i32
        %add3A_241 = arith.addi %scan3A_163, %add3A_240 : i32
        %get3A_242 = arith.index_cast %add3A_241 : i32 to index
        %get3A_243 = arith.constant 80 : index
        %get3A_244 = tpu.vector_load %arg7[%get3A_242, %get3A_243] {strides = array<i32>} : memref<256x128xi32, #tpu.memory_space<vmem>>, vector<16xi32>,
        %bitcast3A_245 = vector.bitcast %get3A_244 : vector<16xi32> to vector<32xbf16>
        %add3A_246 = arith.addf %bitcast3A_239, %bitcast3A_245 : vector<32xbf16>
        %bitcast3A_247 = vector.bitcast %add3A_246 : vector<32xbf16> to vector<16xi32>
        %swap3A_248 = arith.index_cast %scan3A_163 : i32 to index
        %swap3A_249 = arith.constant 80 : index
        %swap3A_250 = tpu.vector_load %arg7[%swap3A_248, %swap3A_249] {strides = array<i32>} : memref<256x128xi32, #tpu.memory_space<vmem>>, vector<16xi32>,
        tpu.vector_store %arg7[%swap3A_248, %swap3A_249], %bitcast3A_247 {strides = array<i32>} : memref<256x128xi32, #tpu.memory_space<vmem>>, vector<16xi32>,
        %get3A_251 = arith.index_cast %scan3A_163 : i32 to index
        %get3A_252 = arith.constant 96 : index
        %get3A_253 = tpu.vector_load %arg7[%get3A_251, %get3A_252] {strides = array<i32>} : memref<256x128xi32, #tpu.memory_space<vmem>>, vector<16xi32>,
        %bitcast3A_254 = vector.bitcast %get3A_253 : vector<16xi32> to vector<32xbf16>
        %add3A_255 = arith.constant 128 : i32
        %add3A_256 = arith.addi %scan3A_163, %add3A_255 : i32
        %get3A_257 = arith.index_cast %add3A_256 : i32 to index
        %get3A_258 = arith.constant 96 : index
        %get3A_259 = tpu.vector_load %arg7[%get3A_257, %get3A_258] {strides = array<i32>} : memref<256x128xi32, #tpu.memory_space<vmem>>, vector<16xi32>,
        %bitcast3A_260 = vector.bitcast %get3A_259 : vector<16xi32> to vector<32xbf16>
        %add3A_261 = arith.addf %bitcast3A_254, %bitcast3A_260 : vector<32xbf16>
        %bitcast3A_262 = vector.bitcast %add3A_261 : vector<32xbf16> to vector<16xi32>
        %swap3A_263 = arith.index_cast %scan3A_163 : i32 to index
        %swap3A_264 = arith.constant 96 : index
        %swap3A_265 = tpu.vector_load %arg7[%swap3A_263, %swap3A_264] {strides = array<i32>} : memref<256x128xi32, #tpu.memory_space<vmem>>, vector<16xi32>,
        tpu.vector_store %arg7[%swap3A_263, %swap3A_264], %bitcast3A_262 {strides = array<i32>} : memref<256x128xi32, #tpu.memory_space<vmem>>, vector<16xi32>,
        %get3A_266 = arith.index_cast %scan3A_163 : i32 to index
        %get3A_267 = arith.constant 112 : index
        %get3A_268 = tpu.vector_load %arg7[%get3A_266, %get3A_267] {strides = array<i32>} : memref<256x128xi32, #tpu.memory_space<vmem>>, vector<16xi32>,
        %bitcast3A_269 = vector.bitcast %get3A_268 : vector<16xi32> to vector<32xbf16>
        %add3A_270 = arith.constant 128 : i32
        %add3A_271 = arith.addi %scan3A_163, %add3A_270 : i32
        %get3A_272 = arith.index_cast %add3A_271 : i32 to index
        %get3A_273 = arith.constant 112 : index
        %get3A_274 = tpu.vector_load %arg7[%get3A_272, %get3A_273] {strides = array<i32>} : memref<256x128xi32, #tpu.memory_space<vmem>>, vector<16xi32>,
        %bitcast3A_275 = vector.bitcast %get3A_274 : vector<16xi32> to vector<32xbf16>
        %add3A_276 = arith.addf %bitcast3A_269, %bitcast3A_275 : vector<32xbf16>
        %bitcast3A_277 = vector.bitcast %add3A_276 : vector<32xbf16> to vector<16xi32>
        %swap3A_278 = arith.index_cast %scan3A_163 : i32 to index
        %swap3A_279 = arith.constant 112 : index
        %swap3A_280 = tpu.vector_load %arg7[%swap3A_278, %swap3A_279] {strides = array<i32>} : memref<256x128xi32, #tpu.memory_space<vmem>>, vector<16xi32>,
        tpu.vector_store %arg7[%swap3A_278, %swap3A_279], %bitcast3A_277 {strides = array<i32>} : memref<256x128xi32, #tpu.memory_space<vmem>>, vector<16xi32>,
      }
      %scan3A_120 = arith.constant 128 : i32
      %add3A_121 = arith.constant 1 : i32
      %add3A_122 = arith.addi %mul3A_8, %add3A_121 : i32
      %mul3A_123 = arith.constant 40 : i32
      %mul3A_124 = arith.muli %add3A, %mul3A_123 : i32
      %add3A_125 = arith.addi %mul3A_124, %add3A_122 : i32
      %lt3A_126 = arith.constant 1250 : i32
      %lt3A_127 = arith.cmpi slt, %add3A_125, %lt3A_126 : i32
      %jit3A_128 = arith.constant 1250 : i32
      %select_n3A_129 = arith.select %lt3A_127, %add3A_125, %jit3A_128 : i32
      %mul3A_130 = arith.constant 128 : i32
      %mul3A_131 = arith.muli %select_n3A_129, %mul3A_130 : i32
      %multiple_of3A_132 = tpu.assume_multiple %mul3A_131, 128 : i32
      %dma_start3A_133 = arith.constant 0 : i32
      %dma_start3A_134 = arith.constant 0 : i32
      %dma_start3A_135 = tpu.memref_slice %arg7[%dma_start3A_133, %dma_start3A_134] : memref<256x128xi32, #tpu.memory_space<vmem>> -> memref<128x128xi32, #tpu.memory_space<vmem>>
      %dma_start3A_136 = arith.constant 0 : i32
      %dma_start3A_137 = tpu.memref_slice %arg4[%multiple_of3A_132, %dma_start3A_136] : memref<164000x128xi32, #tpu.memory_space<hbm>> -> memref<128x128xi32, #tpu.memory_space<hbm>>
      %dma_start3A_138 = arith.constant 0 : i32
      %dma_start3A_139 = tpu.memref_slice %arg4[%multiple_of3A_132, %dma_start3A_138] : memref<164000x128xi32, #tpu.memory_space<hbm>> -> memref<128x128xi32, #tpu.memory_space<hbm>>
      %dma_start3A_140 = arith.constant 0 : i32
      %dma_start3A_141 = arith.constant 0 : i32
      %dma_start3A_142 = tpu.memref_slice %arg7[%dma_start3A_140, %dma_start3A_141] : memref<256x128xi32, #tpu.memory_space<vmem>> -> memref<128x128xi32, #tpu.memory_space<vmem>>
      tpu.enqueue_dma source(%dma_start3A_142 : memref<128x128xi32, #tpu.memory_space<vmem>>) target(%dma_start3A_139 : memref<128x128xi32, #tpu.memory_space<hbm>>) target_semaphore(%arg11 : memref<!tpu.dma_semaphore, #tpu.memory_space<semaphore_mem>>)
      %dma_wait3A_143 = arith.constant 0 : i32
      %dma_wait3A_144 = arith.constant 0 : i32
      %dma_wait3A_145 = tpu.memref_slice %arg6[%dma_wait3A_143, %dma_wait3A_144] : memref<256x128xi32, #tpu.memory_space<vmem>> -> memref<128x128xi32, #tpu.memory_space<vmem>>
      %dma_wait3A_146 = arith.constant 0 : i32
      %dma_wait3A_147 = tpu.memref_slice %arg4[%multiple_of3A, %dma_wait3A_146] : memref<164000x128xi32, #tpu.memory_space<hbm>> -> memref<128x128xi32, #tpu.memory_space<hbm>>
      %dma_wait3A_148 = arith.constant 0 : i32
      %dma_wait3A_149 = tpu.memref_slice %arg4[%multiple_of3A, %dma_wait3A_148] : memref<164000x128xi32, #tpu.memory_space<hbm>> -> memref<128x128xi32, #tpu.memory_space<hbm>>
      %dma_wait3A_150 = arith.constant 0 : i32
      %dma_wait3A_151 = arith.constant 0 : i32
      %dma_wait3A_152 = tpu.memref_slice %arg6[%dma_wait3A_150, %dma_wait3A_151] : memref<256x128xi32, #tpu.memory_space<vmem>> -> memref<128x128xi32, #tpu.memory_space<vmem>>
      tpu.wait_dma2 semaphore(%arg10 : memref<!tpu.dma_semaphore, #tpu.memory_space<semaphore_mem>>) src(%dma_wait3A_152 : memref<128x128xi32, #tpu.memory_space<vmem>>) dst(%dma_wait3A_149 : memref<128x128xi32, #tpu.memory_space<hbm>>)
      %dma_wait3A_153 = arith.constant 0 : i32
      %dma_wait3A_154 = arith.constant 0 : i32
      %dma_wait3A_155 = tpu.memref_slice %arg7[%dma_wait3A_153, %dma_wait3A_154] : memref<256x128xi32, #tpu.memory_space<vmem>> -> memref<128x128xi32, #tpu.memory_space<vmem>>
      %dma_wait3A_156 = arith.constant 0 : i32
      %dma_wait3A_157 = tpu.memref_slice %arg4[%multiple_of3A_132, %dma_wait3A_156] : memref<164000x128xi32, #tpu.memory_space<hbm>> -> memref<128x128xi32, #tpu.memory_space<hbm>>
      %dma_wait3A_158 = arith.constant 0 : i32
      %dma_wait3A_159 = tpu.memref_slice %arg4[%multiple_of3A_132, %dma_wait3A_158] : memref<164000x128xi32, #tpu.memory_space<hbm>> -> memref<128x128xi32, #tpu.memory_space<hbm>>
      %dma_wait3A_160 = arith.constant 0 : i32
      %dma_wait3A_161 = arith.constant 0 : i32
      %dma_wait3A_162 = tpu.memref_slice %arg7[%dma_wait3A_160, %dma_wait3A_161] : memref<256x128xi32, #tpu.memory_space<vmem>> -> memref<128x128xi32, #tpu.memory_space<vmem>>
      tpu.wait_dma2 semaphore(%arg11 : memref<!tpu.dma_semaphore, #tpu.memory_space<semaphore_mem>>) src(%dma_wait3A_162 : memref<128x128xi32, #tpu.memory_space<vmem>>) dst(%dma_wait3A_159 : memref<128x128xi32, #tpu.memory_space<hbm>>)
    }
    %scan3A_5 = arith.constant 20 : i32
    return
  }
}

#map = affine_map<(d0, d1) -> (0, 0)>
#map1 = affine_map<(d0, d1) -> (0, 0, 0)>
module attributes {stable_mosaic.version = 14 : i64} {
  func.func @_scatter_body(%arg0: i32, %arg1: i32, %arg2: memref<164000x4xf32, #tpu.memory_space<hbm>>, %arg3: memref<32x39x128xi32, #tpu.memory_space<hbm>>, %arg4: memref<32x8xi32, #tpu.memory_space<hbm>>, %arg5: memref<10000x4xf32, #tpu.memory_space<hbm>>, %arg6: memref<2x10000x4xf32, #tpu.memory_space<hbm>>, %arg7: memref<39x128xi32, #tpu.memory_space<vmem>>, %arg8: memref<8xi32, #tpu.memory_space<vmem>>, %arg9: memref<128x4xf32, #tpu.memory_space<vmem>>, %arg10: memref<128x4xf32, #tpu.memory_space<vmem>>, %arg11: memref<8x4xf32, #tpu.memory_space<vmem>>, %arg12: memref<10000x4xf32, #tpu.memory_space<vmem_shared>>, %arg13: memref<!tpu.dma_semaphore, #tpu.memory_space<semaphore_mem>>) attributes {dimension_semantics = [#tpu.dimension_semantics<core_parallel>, #tpu.dimension_semantics<subcore_parallel>], iteration_bounds = array<i64: 2, 16>, scalar_prefetch = 0 : i64, scratch_operands = 7 : i64, tpu.core_type = #tpu.core_type<sc_vector_subcore>, window_params = [{transform_indices = #map}, {transform_indices = #map1}, {transform_indices = #map}, {transform_indices = #map}, {transform_indices = #map1}]} {
    %mul3A = arith.constant 2 : i32
    %mul3A_0 = arith.muli %arg1, %mul3A : i32
    %add3A = arith.addi %mul3A_0, %arg0 : i32
    %mul3A_1 = arith.constant 5000 : i32
    %mul3A_2 = arith.muli %add3A, %mul3A_1 : i32
    %multiple_of3A = tpu.assume_multiple %mul3A_2, 8 : i32
    %lt3A = arith.constant 10 : i32
    %lt3A_3 = arith.cmpi slt, %arg1, %lt3A : i32
    %convert_element_type3A = arith.extui %lt3A_3 : i1 to i32
    %cond3A = arith.constant 0 : i32
    %cond3A_4 = arith.cmpi ne, %convert_element_type3A, %cond3A : i32
    scf.if %cond3A_4 {
      %mul3A_38 = arith.constant 1000 : i32
      %mul3A_39 = arith.muli %arg1, %mul3A_38 : i32
      %mul3A_40 = arith.constant 1000 : i32
      %mul3A_41 = arith.muli %arg1, %mul3A_40 : i32
      "tpu.region"() ({
        %run_scoped3A = tpu.sem_alloc : memref<!tpu.dma_semaphore, #tpu.memory_space<semaphore_mem>>
        %dma_start3A_42 = arith.constant 0 : i32
        %dma_start3A_43 = tpu.memref_slice %arg12[%mul3A_41, %dma_start3A_42] : memref<10000x4xf32, #tpu.memory_space<vmem_shared>> -> memref<1000x4xf32, #tpu.memory_space<vmem_shared>>
        %dma_start3A_44 = arith.constant 0 : i32
        %dma_start3A_45 = tpu.memref_slice %arg5[%mul3A_39, %dma_start3A_44] : memref<10000x4xf32, #tpu.memory_space<hbm>> -> memref<1000x4xf32, #tpu.memory_space<hbm>>
        tpu.enqueue_dma source(%dma_start3A_45 : memref<1000x4xf32, #tpu.memory_space<hbm>>) target(%dma_start3A_43 : memref<1000x4xf32, #tpu.memory_space<vmem_shared>>) target_semaphore(%run_scoped3A : memref<!tpu.dma_semaphore, #tpu.memory_space<semaphore_mem>>)
        %dma_wait3A_46 = arith.constant 0 : i32
        %dma_wait3A_47 = tpu.memref_slice %arg12[%mul3A_41, %dma_wait3A_46] : memref<10000x4xf32, #tpu.memory_space<vmem_shared>> -> memref<1000x4xf32, #tpu.memory_space<vmem_shared>>
        %dma_wait3A_48 = arith.constant 0 : i32
        %dma_wait3A_49 = tpu.memref_slice %arg5[%mul3A_39, %dma_wait3A_48] : memref<10000x4xf32, #tpu.memory_space<hbm>> -> memref<1000x4xf32, #tpu.memory_space<hbm>>
        tpu.wait_dma2 semaphore(%run_scoped3A : memref<!tpu.dma_semaphore, #tpu.memory_space<semaphore_mem>>) src(%dma_wait3A_49 : memref<1000x4xf32, #tpu.memory_space<hbm>>) dst(%dma_wait3A_47 : memref<1000x4xf32, #tpu.memory_space<vmem_shared>>)
        tpu.yield
      }) : () -> ()
    } else {
    }
    "tpu.region"() ({
      %run_scoped3A = tpu.sem_alloc : memref<!tpu.dma_semaphore, #tpu.memory_space<semaphore_mem>>
      %dma_start3A_38 = arith.constant 0 : i32
      %dma_start3A_39 = arith.constant 0 : i32
      %dma_start3A_40 = tpu.memref_slice %arg3[%add3A, %dma_start3A_38, %dma_start3A_39] : memref<32x39x128xi32, #tpu.memory_space<hbm>> -> memref<1x39x128xi32, #tpu.memory_space<hbm>>
      %dma_start3A_41 = tpu.memref_squeeze %dma_start3A_40 : memref<1x39x128xi32, #tpu.memory_space<hbm>> -> memref<39x128xi32, #tpu.memory_space<hbm>>
      %dma_start3A_42 = arith.constant 0 : i32
      %dma_start3A_43 = arith.constant 0 : i32
      %dma_start3A_44 = tpu.memref_slice %arg3[%add3A, %dma_start3A_42, %dma_start3A_43] : memref<32x39x128xi32, #tpu.memory_space<hbm>> -> memref<1x39x128xi32, #tpu.memory_space<hbm>>
      %dma_start3A_45 = tpu.memref_squeeze %dma_start3A_44 : memref<1x39x128xi32, #tpu.memory_space<hbm>> -> memref<39x128xi32, #tpu.memory_space<hbm>>
      tpu.enqueue_dma source(%dma_start3A_45 : memref<39x128xi32, #tpu.memory_space<hbm>>) target(%arg7 : memref<39x128xi32, #tpu.memory_space<vmem>>) target_semaphore(%run_scoped3A : memref<!tpu.dma_semaphore, #tpu.memory_space<semaphore_mem>>)
      %dma_wait3A_46 = arith.constant 0 : i32
      %dma_wait3A_47 = arith.constant 0 : i32
      %dma_wait3A_48 = tpu.memref_slice %arg3[%add3A, %dma_wait3A_46, %dma_wait3A_47] : memref<32x39x128xi32, #tpu.memory_space<hbm>> -> memref<1x39x128xi32, #tpu.memory_space<hbm>>
      %dma_wait3A_49 = tpu.memref_squeeze %dma_wait3A_48 : memref<1x39x128xi32, #tpu.memory_space<hbm>> -> memref<39x128xi32, #tpu.memory_space<hbm>>
      %dma_wait3A_50 = arith.constant 0 : i32
      %dma_wait3A_51 = arith.constant 0 : i32
      %dma_wait3A_52 = tpu.memref_slice %arg3[%add3A, %dma_wait3A_50, %dma_wait3A_51] : memref<32x39x128xi32, #tpu.memory_space<hbm>> -> memref<1x39x128xi32, #tpu.memory_space<hbm>>
      %dma_wait3A_53 = tpu.memref_squeeze %dma_wait3A_52 : memref<1x39x128xi32, #tpu.memory_space<hbm>> -> memref<39x128xi32, #tpu.memory_space<hbm>>
      tpu.wait_dma2 semaphore(%run_scoped3A : memref<!tpu.dma_semaphore, #tpu.memory_space<semaphore_mem>>) src(%dma_wait3A_53 : memref<39x128xi32, #tpu.memory_space<hbm>>) dst(%arg7 : memref<39x128xi32, #tpu.memory_space<vmem>>)
      tpu.yield
    }) : () -> ()
    "tpu.region"() ({
      %run_scoped3A = tpu.sem_alloc : memref<!tpu.dma_semaphore, #tpu.memory_space<semaphore_mem>>
      %dma_start3A_38 = arith.constant 0 : i32
      %dma_start3A_39 = tpu.memref_slice %arg4[%add3A, %dma_start3A_38] : memref<32x8xi32, #tpu.memory_space<hbm>> -> memref<1x8xi32, #tpu.memory_space<hbm>>
      %dma_start3A_40 = tpu.memref_squeeze %dma_start3A_39 : memref<1x8xi32, #tpu.memory_space<hbm>> -> memref<8xi32, #tpu.memory_space<hbm>>
      %dma_start3A_41 = arith.constant 0 : i32
      %dma_start3A_42 = tpu.memref_slice %arg4[%add3A, %dma_start3A_41] : memref<32x8xi32, #tpu.memory_space<hbm>> -> memref<1x8xi32, #tpu.memory_space<hbm>>
      %dma_start3A_43 = tpu.memref_squeeze %dma_start3A_42 : memref<1x8xi32, #tpu.memory_space<hbm>> -> memref<8xi32, #tpu.memory_space<hbm>>
      tpu.enqueue_dma source(%dma_start3A_43 : memref<8xi32, #tpu.memory_space<hbm>>) target(%arg8 : memref<8xi32, #tpu.memory_space<vmem>>) target_semaphore(%run_scoped3A : memref<!tpu.dma_semaphore, #tpu.memory_space<semaphore_mem>>)
      %dma_wait3A_44 = arith.constant 0 : i32
      %dma_wait3A_45 = tpu.memref_slice %arg4[%add3A, %dma_wait3A_44] : memref<32x8xi32, #tpu.memory_space<hbm>> -> memref<1x8xi32, #tpu.memory_space<hbm>>
      %dma_wait3A_46 = tpu.memref_squeeze %dma_wait3A_45 : memref<1x8xi32, #tpu.memory_space<hbm>> -> memref<8xi32, #tpu.memory_space<hbm>>
      %dma_wait3A_47 = arith.constant 0 : i32
      %dma_wait3A_48 = tpu.memref_slice %arg4[%add3A, %dma_wait3A_47] : memref<32x8xi32, #tpu.memory_space<hbm>> -> memref<1x8xi32, #tpu.memory_space<hbm>>
      %dma_wait3A_49 = tpu.memref_squeeze %dma_wait3A_48 : memref<1x8xi32, #tpu.memory_space<hbm>> -> memref<8xi32, #tpu.memory_space<hbm>>
      tpu.wait_dma2 semaphore(%run_scoped3A : memref<!tpu.dma_semaphore, #tpu.memory_space<semaphore_mem>>) src(%dma_wait3A_49 : memref<8xi32, #tpu.memory_space<hbm>>) dst(%arg8 : memref<8xi32, #tpu.memory_space<vmem>>)
      tpu.yield
    }) : () -> ()
    %barrier3A = arith.constant 0 : index
    tpu.barrier barrier_id(%barrier3A)
    %scan3A = arith.constant 0 : i32
    %scan3A_5 = arith.constant 0 : i32
    %scan3A_6 = arith.constant 19 : i32
    %scan3A_7 = arith.addi %scan3A_5, %scan3A_6 : i32
    %scan3A_8 = arith.constant 1 : i32
    scf.for %scan3A_38 = %scan3A_5 to %scan3A_7 step %scan3A_8  : i32 {
      %mul3A_39 = arith.constant 2 : i32
      %mul3A_40 = arith.muli %scan3A_38, %mul3A_39 : i32
      %mul3A_41 = arith.constant 128 : i32
      %mul3A_42 = arith.muli %mul3A_40, %mul3A_41 : i32
      %add3A_43 = arith.addi %multiple_of3A, %mul3A_42 : i32
      "tpu.region"() ({
        %run_scoped3A = tpu.sem_alloc : memref<!tpu.dma_semaphore, #tpu.memory_space<semaphore_mem>>
        %dma_start3A_75 = arith.constant 0 : i32
        %dma_start3A_76 = tpu.memref_slice %arg2[%add3A_43, %dma_start3A_75] : memref<164000x4xf32, #tpu.memory_space<hbm>> -> memref<128x4xf32, #tpu.memory_space<hbm>>
        %dma_start3A_77 = arith.constant 0 : i32
        %dma_start3A_78 = tpu.memref_slice %arg2[%add3A_43, %dma_start3A_77] : memref<164000x4xf32, #tpu.memory_space<hbm>> -> memref<128x4xf32, #tpu.memory_space<hbm>>
        tpu.enqueue_dma source(%dma_start3A_78 : memref<128x4xf32, #tpu.memory_space<hbm>>) target(%arg9 : memref<128x4xf32, #tpu.memory_space<vmem>>) target_semaphore(%run_scoped3A : memref<!tpu.dma_semaphore, #tpu.memory_space<semaphore_mem>>)
        %dma_wait3A_79 = arith.constant 0 : i32
        %dma_wait3A_80 = tpu.memref_slice %arg2[%add3A_43, %dma_wait3A_79] : memref<164000x4xf32, #tpu.memory_space<hbm>> -> memref<128x4xf32, #tpu.memory_space<hbm>>
        %dma_wait3A_81 = arith.constant 0 : i32
        %dma_wait3A_82 = tpu.memref_slice %arg2[%add3A_43, %dma_wait3A_81] : memref<164000x4xf32, #tpu.memory_space<hbm>> -> memref<128x4xf32, #tpu.memory_space<hbm>>
        tpu.wait_dma2 semaphore(%run_scoped3A : memref<!tpu.dma_semaphore, #tpu.memory_space<semaphore_mem>>) src(%dma_wait3A_82 : memref<128x4xf32, #tpu.memory_space<hbm>>) dst(%arg9 : memref<128x4xf32, #tpu.memory_space<vmem>>)
        tpu.yield
      }) : () -> ()
      %dma_start3A_44 = arith.constant 0 : i32
      %dma_start3A_45 = tpu.memref_slice %arg7[%mul3A_40, %dma_start3A_44] : memref<39x128xi32, #tpu.memory_space<vmem>> -> memref<1x128xi32, #tpu.memory_space<vmem>>
      %dma_start3A_46 = tpu.memref_squeeze %dma_start3A_45 : memref<1x128xi32, #tpu.memory_space<vmem>> -> memref<128xi32, #tpu.memory_space<vmem>>
      %dma_start3A_47 = arith.constant 0 : i32
      %dma_start3A_48 = arith.constant 0 : i32
      %dma_start3A_49 = tpu.memref_slice %arg12[%dma_start3A_47, %dma_start3A_48] : memref<10000x4xf32, #tpu.memory_space<vmem_shared>> -> memref<10000x4xf32, #tpu.memory_space<vmem_shared>>
      tpu.enqueue_indirect_dma source(%arg9 : memref<128x4xf32, #tpu.memory_space<vmem>>) target(%dma_start3A_49 : memref<10000x4xf32, #tpu.memory_space<vmem_shared>>) offsets(%dma_start3A_46 : memref<128xi32, #tpu.memory_space<vmem>>) semaphore(%arg13 : memref<!tpu.dma_semaphore, #tpu.memory_space<semaphore_mem>>) {add = true}
      %add3A_50 = arith.constant 1 : i32
      %add3A_51 = arith.addi %mul3A_40, %add3A_50 : i32
      %mul3A_52 = arith.constant 128 : i32
      %mul3A_53 = arith.muli %add3A_51, %mul3A_52 : i32
      %add3A_54 = arith.addi %multiple_of3A, %mul3A_53 : i32
      "tpu.region"() ({
        %run_scoped3A = tpu.sem_alloc : memref<!tpu.dma_semaphore, #tpu.memory_space<semaphore_mem>>
        %dma_start3A_75 = arith.constant 0 : i32
        %dma_start3A_76 = tpu.memref_slice %arg2[%add3A_54, %dma_start3A_75] : memref<164000x4xf32, #tpu.memory_space<hbm>> -> memref<128x4xf32, #tpu.memory_space<hbm>>
        %dma_start3A_77 = arith.constant 0 : i32
        %dma_start3A_78 = tpu.memref_slice %arg2[%add3A_54, %dma_start3A_77] : memref<164000x4xf32, #tpu.memory_space<hbm>> -> memref<128x4xf32, #tpu.memory_space<hbm>>
        tpu.enqueue_dma source(%dma_start3A_78 : memref<128x4xf32, #tpu.memory_space<hbm>>) target(%arg10 : memref<128x4xf32, #tpu.memory_space<vmem>>) target_semaphore(%run_scoped3A : memref<!tpu.dma_semaphore, #tpu.memory_space<semaphore_mem>>)
        %dma_wait3A_79 = arith.constant 0 : i32
        %dma_wait3A_80 = tpu.memref_slice %arg2[%add3A_54, %dma_wait3A_79] : memref<164000x4xf32, #tpu.memory_space<hbm>> -> memref<128x4xf32, #tpu.memory_space<hbm>>
        %dma_wait3A_81 = arith.constant 0 : i32
        %dma_wait3A_82 = tpu.memref_slice %arg2[%add3A_54, %dma_wait3A_81] : memref<164000x4xf32, #tpu.memory_space<hbm>> -> memref<128x4xf32, #tpu.memory_space<hbm>>
        tpu.wait_dma2 semaphore(%run_scoped3A : memref<!tpu.dma_semaphore, #tpu.memory_space<semaphore_mem>>) src(%dma_wait3A_82 : memref<128x4xf32, #tpu.memory_space<hbm>>) dst(%arg10 : memref<128x4xf32, #tpu.memory_space<vmem>>)
        tpu.yield
      }) : () -> ()
      %add3A_55 = arith.constant 1 : i32
      %add3A_56 = arith.addi %mul3A_40, %add3A_55 : i32
      %dma_start3A_57 = arith.constant 0 : i32
      %dma_start3A_58 = tpu.memref_slice %arg7[%add3A_56, %dma_start3A_57] : memref<39x128xi32, #tpu.memory_space<vmem>> -> memref<1x128xi32, #tpu.memory_space<vmem>>
      %dma_start3A_59 = tpu.memref_squeeze %dma_start3A_58 : memref<1x128xi32, #tpu.memory_space<vmem>> -> memref<128xi32, #tpu.memory_space<vmem>>
      %dma_start3A_60 = arith.constant 0 : i32
      %dma_start3A_61 = arith.constant 0 : i32
      %dma_start3A_62 = tpu.memref_slice %arg12[%dma_start3A_60, %dma_start3A_61] : memref<10000x4xf32, #tpu.memory_space<vmem_shared>> -> memref<10000x4xf32, #tpu.memory_space<vmem_shared>>
      tpu.enqueue_indirect_dma source(%arg10 : memref<128x4xf32, #tpu.memory_space<vmem>>) target(%dma_start3A_62 : memref<10000x4xf32, #tpu.memory_space<vmem_shared>>) offsets(%dma_start3A_59 : memref<128xi32, #tpu.memory_space<vmem>>) semaphore(%arg13 : memref<!tpu.dma_semaphore, #tpu.memory_space<semaphore_mem>>) {add = true}
      %dma_wait3A_63 = arith.constant 0 : i32
      %dma_wait3A_64 = tpu.memref_slice %arg7[%mul3A_40, %dma_wait3A_63] : memref<39x128xi32, #tpu.memory_space<vmem>> -> memref<1x128xi32, #tpu.memory_space<vmem>>
      %dma_wait3A_65 = tpu.memref_squeeze %dma_wait3A_64 : memref<1x128xi32, #tpu.memory_space<vmem>> -> memref<128xi32, #tpu.memory_space<vmem>>
      %dma_wait3A_66 = arith.constant 0 : i32
      %dma_wait3A_67 = arith.constant 0 : i32
      %dma_wait3A_68 = tpu.memref_slice %arg12[%dma_wait3A_66, %dma_wait3A_67] : memref<10000x4xf32, #tpu.memory_space<vmem_shared>> -> memref<10000x4xf32, #tpu.memory_space<vmem_shared>>
      tpu.wait_indirect_dma semaphore(%arg13 : memref<!tpu.dma_semaphore, #tpu.memory_space<semaphore_mem>>) src(%arg9 : memref<128x4xf32, #tpu.memory_space<vmem>>) dst(%dma_wait3A_68 : memref<10000x4xf32, #tpu.memory_space<vmem_shared>>)
      %dma_wait3A_69 = arith.constant 0 : i32
      %dma_wait3A_70 = tpu.memref_slice %arg7[%add3A_56, %dma_wait3A_69] : memref<39x128xi32, #tpu.memory_space<vmem>> -> memref<1x128xi32, #tpu.memory_space<vmem>>
      %dma_wait3A_71 = tpu.memref_squeeze %dma_wait3A_70 : memref<1x128xi32, #tpu.memory_space<vmem>> -> memref<128xi32, #tpu.memory_space<vmem>>
      %dma_wait3A_72 = arith.constant 0 : i32
      %dma_wait3A_73 = arith.constant 0 : i32
      %dma_wait3A_74 = tpu.memref_slice %arg12[%dma_wait3A_72, %dma_wait3A_73] : memref<10000x4xf32, #tpu.memory_space<vmem_shared>> -> memref<10000x4xf32, #tpu.memory_space<vmem_shared>>
      tpu.wait_indirect_dma semaphore(%arg13 : memref<!tpu.dma_semaphore, #tpu.memory_space<semaphore_mem>>) src(%arg10 : memref<128x4xf32, #tpu.memory_space<vmem>>) dst(%dma_wait3A_74 : memref<10000x4xf32, #tpu.memory_space<vmem_shared>>)
    }
    %scan3A_9 = arith.constant 19 : i32
    %add3A_10 = arith.constant 4864 : i32
    %add3A_11 = arith.addi %multiple_of3A, %add3A_10 : i32
    "tpu.region"() ({
      %run_scoped3A = tpu.sem_alloc : memref<!tpu.dma_semaphore, #tpu.memory_space<semaphore_mem>>
      %dma_start3A_38 = arith.constant 0 : i32
      %dma_start3A_39 = tpu.memref_slice %arg2[%add3A_11, %dma_start3A_38] : memref<164000x4xf32, #tpu.memory_space<hbm>> -> memref<128x4xf32, #tpu.memory_space<hbm>>
      %dma_start3A_40 = arith.constant 0 : i32
      %dma_start3A_41 = tpu.memref_slice %arg2[%add3A_11, %dma_start3A_40] : memref<164000x4xf32, #tpu.memory_space<hbm>> -> memref<128x4xf32, #tpu.memory_space<hbm>>
      tpu.enqueue_dma source(%dma_start3A_41 : memref<128x4xf32, #tpu.memory_space<hbm>>) target(%arg9 : memref<128x4xf32, #tpu.memory_space<vmem>>) target_semaphore(%run_scoped3A : memref<!tpu.dma_semaphore, #tpu.memory_space<semaphore_mem>>)
      %dma_wait3A_42 = arith.constant 0 : i32
      %dma_wait3A_43 = tpu.memref_slice %arg2[%add3A_11, %dma_wait3A_42] : memref<164000x4xf32, #tpu.memory_space<hbm>> -> memref<128x4xf32, #tpu.memory_space<hbm>>
      %dma_wait3A_44 = arith.constant 0 : i32
      %dma_wait3A_45 = tpu.memref_slice %arg2[%add3A_11, %dma_wait3A_44] : memref<164000x4xf32, #tpu.memory_space<hbm>> -> memref<128x4xf32, #tpu.memory_space<hbm>>
      tpu.wait_dma2 semaphore(%run_scoped3A : memref<!tpu.dma_semaphore, #tpu.memory_space<semaphore_mem>>) src(%dma_wait3A_45 : memref<128x4xf32, #tpu.memory_space<hbm>>) dst(%arg9 : memref<128x4xf32, #tpu.memory_space<vmem>>)
      tpu.yield
    }) : () -> ()
    %dma_start3A = arith.constant 38 : i32
    %dma_start3A_12 = arith.constant 0 : i32
    %dma_start3A_13 = tpu.memref_slice %arg7[%dma_start3A, %dma_start3A_12] : memref<39x128xi32, #tpu.memory_space<vmem>> -> memref<1x128xi32, #tpu.memory_space<vmem>>
    %dma_start3A_14 = tpu.memref_squeeze %dma_start3A_13 : memref<1x128xi32, #tpu.memory_space<vmem>> -> memref<128xi32, #tpu.memory_space<vmem>>
    %dma_start3A_15 = arith.constant 0 : i32
    %dma_start3A_16 = arith.constant 0 : i32
    %dma_start3A_17 = tpu.memref_slice %arg12[%dma_start3A_15, %dma_start3A_16] : memref<10000x4xf32, #tpu.memory_space<vmem_shared>> -> memref<10000x4xf32, #tpu.memory_space<vmem_shared>>
    tpu.enqueue_indirect_dma source(%arg9 : memref<128x4xf32, #tpu.memory_space<vmem>>) target(%dma_start3A_17 : memref<10000x4xf32, #tpu.memory_space<vmem_shared>>) offsets(%dma_start3A_14 : memref<128xi32, #tpu.memory_space<vmem>>) semaphore(%arg13 : memref<!tpu.dma_semaphore, #tpu.memory_space<semaphore_mem>>) {add = true}
    %add3A_18 = arith.constant 4992 : i32
    %add3A_19 = arith.addi %multiple_of3A, %add3A_18 : i32
    "tpu.region"() ({
      %run_scoped3A = tpu.sem_alloc : memref<!tpu.dma_semaphore, #tpu.memory_space<semaphore_mem>>
      %dma_start3A_38 = arith.constant 0 : i32
      %dma_start3A_39 = tpu.memref_slice %arg2[%add3A_19, %dma_start3A_38] : memref<164000x4xf32, #tpu.memory_space<hbm>> -> memref<8x4xf32, #tpu.memory_space<hbm>>
      %dma_start3A_40 = arith.constant 0 : i32
      %dma_start3A_41 = tpu.memref_slice %arg2[%add3A_19, %dma_start3A_40] : memref<164000x4xf32, #tpu.memory_space<hbm>> -> memref<8x4xf32, #tpu.memory_space<hbm>>
      tpu.enqueue_dma source(%dma_start3A_41 : memref<8x4xf32, #tpu.memory_space<hbm>>) target(%arg11 : memref<8x4xf32, #tpu.memory_space<vmem>>) target_semaphore(%run_scoped3A : memref<!tpu.dma_semaphore, #tpu.memory_space<semaphore_mem>>)
      %dma_wait3A_42 = arith.constant 0 : i32
      %dma_wait3A_43 = tpu.memref_slice %arg2[%add3A_19, %dma_wait3A_42] : memref<164000x4xf32, #tpu.memory_space<hbm>> -> memref<8x4xf32, #tpu.memory_space<hbm>>
      %dma_wait3A_44 = arith.constant 0 : i32
      %dma_wait3A_45 = tpu.memref_slice %arg2[%add3A_19, %dma_wait3A_44] : memref<164000x4xf32, #tpu.memory_space<hbm>> -> memref<8x4xf32, #tpu.memory_space<hbm>>
      tpu.wait_dma2 semaphore(%run_scoped3A : memref<!tpu.dma_semaphore, #tpu.memory_space<semaphore_mem>>) src(%dma_wait3A_45 : memref<8x4xf32, #tpu.memory_space<hbm>>) dst(%arg11 : memref<8x4xf32, #tpu.memory_space<vmem>>)
      tpu.yield
    }) : () -> ()
    %dma_start3A_20 = arith.constant 0 : i32
    %dma_start3A_21 = arith.constant 0 : i32
    %dma_start3A_22 = tpu.memref_slice %arg12[%dma_start3A_20, %dma_start3A_21] : memref<10000x4xf32, #tpu.memory_space<vmem_shared>> -> memref<10000x4xf32, #tpu.memory_space<vmem_shared>>
    tpu.enqueue_indirect_dma source(%arg11 : memref<8x4xf32, #tpu.memory_space<vmem>>) target(%dma_start3A_22 : memref<10000x4xf32, #tpu.memory_space<vmem_shared>>) offsets(%arg8 : memref<8xi32, #tpu.memory_space<vmem>>) semaphore(%arg13 : memref<!tpu.dma_semaphore, #tpu.memory_space<semaphore_mem>>) {add = true}
    %dma_wait3A = arith.constant 38 : i32
    %dma_wait3A_23 = arith.constant 0 : i32
    %dma_wait3A_24 = tpu.memref_slice %arg7[%dma_wait3A, %dma_wait3A_23] : memref<39x128xi32, #tpu.memory_space<vmem>> -> memref<1x128xi32, #tpu.memory_space<vmem>>
    %dma_wait3A_25 = tpu.memref_squeeze %dma_wait3A_24 : memref<1x128xi32, #tpu.memory_space<vmem>> -> memref<128xi32, #tpu.memory_space<vmem>>
    %dma_wait3A_26 = arith.constant 0 : i32
    %dma_wait3A_27 = arith.constant 0 : i32
    %dma_wait3A_28 = tpu.memref_slice %arg12[%dma_wait3A_26, %dma_wait3A_27] : memref<10000x4xf32, #tpu.memory_space<vmem_shared>> -> memref<10000x4xf32, #tpu.memory_space<vmem_shared>>
    tpu.wait_indirect_dma semaphore(%arg13 : memref<!tpu.dma_semaphore, #tpu.memory_space<semaphore_mem>>) src(%arg9 : memref<128x4xf32, #tpu.memory_space<vmem>>) dst(%dma_wait3A_28 : memref<10000x4xf32, #tpu.memory_space<vmem_shared>>)
    %dma_wait3A_29 = arith.constant 0 : i32
    %dma_wait3A_30 = arith.constant 0 : i32
    %dma_wait3A_31 = tpu.memref_slice %arg12[%dma_wait3A_29, %dma_wait3A_30] : memref<10000x4xf32, #tpu.memory_space<vmem_shared>> -> memref<10000x4xf32, #tpu.memory_space<vmem_shared>>
    tpu.wait_indirect_dma semaphore(%arg13 : memref<!tpu.dma_semaphore, #tpu.memory_space<semaphore_mem>>) src(%arg11 : memref<8x4xf32, #tpu.memory_space<vmem>>) dst(%dma_wait3A_31 : memref<10000x4xf32, #tpu.memory_space<vmem_shared>>)
    %barrier3A_32 = arith.constant 0 : index
    tpu.barrier barrier_id(%barrier3A_32)
    %lt3A_33 = arith.constant 10 : i32
    %lt3A_34 = arith.cmpi slt, %arg1, %lt3A_33 : i32
    %convert_element_type3A_35 = arith.extui %lt3A_34 : i1 to i32
    %cond3A_36 = arith.constant 0 : i32
    %cond3A_37 = arith.cmpi ne, %convert_element_type3A_35, %cond3A_36 : i32
    scf.if %cond3A_37 {
      %mul3A_38 = arith.constant 1000 : i32
      %mul3A_39 = arith.muli %arg1, %mul3A_38 : i32
      %mul3A_40 = arith.constant 1000 : i32
      %mul3A_41 = arith.muli %arg1, %mul3A_40 : i32
      "tpu.region"() ({
        %run_scoped3A = tpu.sem_alloc : memref<!tpu.dma_semaphore, #tpu.memory_space<semaphore_mem>>
        %dma_start3A_42 = arith.constant 0 : i32
        %dma_start3A_43 = tpu.memref_slice %arg6[%arg0, %mul3A_41, %dma_start3A_42] : memref<2x10000x4xf32, #tpu.memory_space<hbm>> -> memref<1x1000x4xf32, #tpu.memory_space<hbm>>
        %dma_start3A_44 = tpu.memref_squeeze %dma_start3A_43 : memref<1x1000x4xf32, #tpu.memory_space<hbm>> -> memref<1000x4xf32, #tpu.memory_space<hbm>>
        %dma_start3A_45 = arith.constant 0 : i32
        %dma_start3A_46 = tpu.memref_slice %arg12[%mul3A_39, %dma_start3A_45] : memref<10000x4xf32, #tpu.memory_space<vmem_shared>> -> memref<1000x4xf32, #tpu.memory_space<vmem_shared>>
        tpu.enqueue_dma source(%dma_start3A_46 : memref<1000x4xf32, #tpu.memory_space<vmem_shared>>) target(%dma_start3A_44 : memref<1000x4xf32, #tpu.memory_space<hbm>>) target_semaphore(%run_scoped3A : memref<!tpu.dma_semaphore, #tpu.memory_space<semaphore_mem>>)
        %dma_wait3A_47 = arith.constant 0 : i32
        %dma_wait3A_48 = tpu.memref_slice %arg6[%arg0, %mul3A_41, %dma_wait3A_47] : memref<2x10000x4xf32, #tpu.memory_space<hbm>> -> memref<1x1000x4xf32, #tpu.memory_space<hbm>>
        %dma_wait3A_49 = tpu.memref_squeeze %dma_wait3A_48 : memref<1x1000x4xf32, #tpu.memory_space<hbm>> -> memref<1000x4xf32, #tpu.memory_space<hbm>>
        %dma_wait3A_50 = arith.constant 0 : i32
        %dma_wait3A_51 = tpu.memref_slice %arg12[%mul3A_39, %dma_wait3A_50] : memref<10000x4xf32, #tpu.memory_space<vmem_shared>> -> memref<1000x4xf32, #tpu.memory_space<vmem_shared>>
        tpu.wait_dma2 semaphore(%run_scoped3A : memref<!tpu.dma_semaphore, #tpu.memory_space<semaphore_mem>>) src(%dma_wait3A_51 : memref<1000x4xf32, #tpu.memory_space<vmem_shared>>) dst(%dma_wait3A_49 : memref<1000x4xf32, #tpu.memory_space<hbm>>)
        tpu.yield
      }) : () -> ()
    } else {
    }
    return
  }
}

module attributes {stable_mosaic.version = 14 : i64} {
  func.func @_proj_body(%arg0: i32, %arg1: memref<10000x256xf32, #tpu.memory_space<vmem>>, %arg2: memref<1x256x128xf32, #tpu.memory_space<vmem>>, %arg3: memref<1x256x128xf32, #tpu.memory_space<vmem>>, %arg4: memref<1x10000x128xi32, #tpu.memory_space<vmem>>) attributes {dimension_semantics = [#tpu.dimension_semantics<arbitrary>], iteration_bounds = array<i64: 2>, scalar_prefetch = 0 : i64, scratch_operands = 0 : i64, tpu.core_type = #tpu.core_type<tc>, window_params = [{pipeline_mode = #tpu.pipeline_mode<synchronous>, transform_indices = @transform_0, window_bounds = array<i64: 10000, 256>}, {transform_indices = @transform_1, window_bounds = array<i64: 1, 256, 128>}, {transform_indices = @transform_2, window_bounds = array<i64: 1, 256, 128>}, {transform_indices = @transform_3, window_bounds = array<i64: 1, 10000, 128>}]} {
    %get3A = arith.constant 0 : index
    %get3A_0 = arith.constant 0 : index
    %get3A_1 = vector.load %arg1[%get3A, %get3A_0] : memref<10000x256xf32, #tpu.memory_space<vmem>>, vector<10000x256xf32>
    %get3A_2 = arith.constant 0 : index
    %get3A_3 = arith.constant 0 : index
    %get3A_4 = arith.constant 0 : index
    %get3A_5 = vector.load %arg2[%get3A_2, %get3A_3, %get3A_4] : memref<1x256x128xf32, #tpu.memory_space<vmem>>, vector<1x256x128xf32>
    %get3A_6 = vector.shape_cast %get3A_5 : vector<1x256x128xf32> to vector<256x128xf32>
    %dot_general3A = arith.constant dense<0.000000e+00> : vector<10000x128xf32>
    %dot_general3A_7 = tpu.matmul %get3A_1, %get3A_6, %dot_general3A {dimension_numbers = #tpu.dot_dimension_numbers<[1], [0], [0], [1], [0, 0, 1, 1], [], []>, transpose_lhs_hint = false} : vector<10000x256xf32>, vector<256x128xf32>, vector<10000x128xf32> -> vector<10000x128xf32>
    %get3A_8 = arith.constant 0 : index
    %get3A_9 = arith.constant 0 : index
    %get3A_10 = vector.load %arg1[%get3A_8, %get3A_9] : memref<10000x256xf32, #tpu.memory_space<vmem>>, vector<10000x256xf32>
    %get3A_11 = arith.constant 0 : index
    %get3A_12 = arith.constant 0 : index
    %get3A_13 = arith.constant 0 : index
    %get3A_14 = vector.load %arg3[%get3A_11, %get3A_12, %get3A_13] : memref<1x256x128xf32, #tpu.memory_space<vmem>>, vector<1x256x128xf32>
    %get3A_15 = vector.shape_cast %get3A_14 : vector<1x256x128xf32> to vector<256x128xf32>
    %dot_general3A_16 = arith.constant dense<0.000000e+00> : vector<10000x128xf32>
    %dot_general3A_17 = tpu.matmul %get3A_10, %get3A_15, %dot_general3A_16 {dimension_numbers = #tpu.dot_dimension_numbers<[1], [0], [0], [1], [0, 0, 1, 1], [], []>, transpose_lhs_hint = false} : vector<10000x256xf32>, vector<256x128xf32>, vector<10000x128xf32> -> vector<10000x128xf32>
    %convert_element_type3A = arith.truncf %dot_general3A_7 : vector<10000x128xf32> to vector<10000x128xbf16>
    %convert_element_type3A_18 = arith.extf %convert_element_type3A : vector<10000x128xbf16> to vector<10000x128xf32>
    %bitcast_convert_type3A = tpu.bitcast %convert_element_type3A_18 : vector<10000x128xf32> -> vector<10000x128xi32>
    %convert_element_type3A_19 = arith.truncf %dot_general3A_17 : vector<10000x128xf32> to vector<10000x128xbf16>
    %convert_element_type3A_20 = arith.extf %convert_element_type3A_19 : vector<10000x128xbf16> to vector<10000x128xf32>
    %bitcast_convert_type3A_21 = tpu.bitcast %convert_element_type3A_20 : vector<10000x128xf32> -> vector<10000x128xi32>
    %shift_right_logical3A = arith.constant 16 : i32
    %shift_right_logical3A_22 = vector.broadcast %shift_right_logical3A : i32 to vector<10000x128xi32>
    %shift_right_logical3A_23 = arith.shrui %bitcast_convert_type3A, %shift_right_logical3A_22 : vector<10000x128xi32>
    %and3A = arith.constant -65536 : i32
    %and3A_24 = vector.broadcast %and3A : i32 to vector<10000x128xi32>
    %and3A_25 = arith.andi %bitcast_convert_type3A_21, %and3A_24 : vector<10000x128xi32>
    %or3A = arith.ori %shift_right_logical3A_23, %and3A_25 : vector<10000x128xi32>
    %bitcast_convert_type3A_26 = tpu.bitcast %or3A : vector<10000x128xi32> -> vector<10000x128xi32>
    %swap3A = arith.constant 0 : index
    %swap3A_27 = arith.constant 0 : index
    %swap3A_28 = arith.constant 0 : index
    %swap3A_29 = vector.load %arg4[%swap3A, %swap3A_27, %swap3A_28] : memref<1x10000x128xi32, #tpu.memory_space<vmem>>, vector<1x10000x128xi32>
    %swap3A_30 = vector.shape_cast %swap3A_29 : vector<1x10000x128xi32> to vector<10000x128xi32>
    %swap3A_31 = vector.shape_cast %bitcast_convert_type3A_26 : vector<10000x128xi32> to vector<1x10000x128xi32>
    tpu.vector_store %arg4[%swap3A, %swap3A_27, %swap3A_28], %swap3A_31 {strides = array<i32>} : memref<1x10000x128xi32, #tpu.memory_space<vmem>>, vector<1x10000x128xi32>,
    return
  }
  func.func @transform_0(%arg0: i32) -> (i32, i32) {
    %c0_i32 = arith.constant 0 : i32
    %c0_i32_0 = arith.constant 0 : i32
    %c0_i32_1 = arith.constant 0 : i32
    return %c0_i32, %c0_i32_0 : i32, i32
  }
  func.func @transform_1(%arg0: i32) -> (i32, i32, i32) {
    %c0_i32 = arith.constant 0 : i32
    %c0_i32_0 = arith.constant 0 : i32
    %c0_i32_1 = arith.constant 0 : i32
    return %arg0, %c0_i32, %c0_i32_0 : i32, i32, i32
  }
  func.func @transform_2(%arg0: i32) -> (i32, i32, i32) {
    %c0_i32 = arith.constant 0 : i32
    %c0_i32_0 = arith.constant 0 : i32
    %c0_i32_1 = arith.constant 0 : i32
    return %arg0, %c0_i32, %c0_i32_0 : i32, i32, i32
  }
  func.func @transform_3(%arg0: i32) -> (i32, i32, i32) {
    %c0_i32 = arith.constant 0 : i32
    %c0_i32_0 = arith.constant 0 : i32
    %c0_i32_1 = arith.constant 0 : i32
    return %arg0, %c0_i32, %c0_i32_0 : i32, i32, i32
  }
}

module attributes {stable_mosaic.version = 14 : i64} {
  func.func @_mlp_body(%arg0: i32, %arg1: memref<4000x128xi32, #tpu.memory_space<vmem>>, %arg2: memref<4000x4xf32, #tpu.memory_space<vmem>>, %arg3: memref<4000x3xf32, #tpu.memory_space<vmem>>, %arg4: memref<4x128xf32, #tpu.memory_space<vmem>>, %arg5: memref<4x128xf32, #tpu.memory_space<vmem>>, %arg6: memref<1x128xf32, #tpu.memory_space<vmem>>, %arg7: memref<1x128xf32, #tpu.memory_space<vmem>>, %arg8: memref<128x256xbf16, #tpu.memory_space<vmem>>, %arg9: memref<128x256xbf16, #tpu.memory_space<vmem>>, %arg10: memref<1x256xf32, #tpu.memory_space<vmem>>, %arg11: memref<1x256xf32, #tpu.memory_space<vmem>>, %arg12: memref<4000x4xf32, #tpu.memory_space<vmem>>) attributes {dimension_semantics = [#tpu.dimension_semantics<arbitrary>], iteration_bounds = array<i64: 41>, scalar_prefetch = 0 : i64, scratch_operands = 0 : i64, tpu.core_type = #tpu.core_type<tc>, window_params = [{transform_indices = @transform_0, window_bounds = array<i64: 4000, 128>}, {transform_indices = @transform_1, window_bounds = array<i64: 4000, 4>}, {transform_indices = @transform_2, window_bounds = array<i64: 4000, 3>}, {pipeline_mode = #tpu.pipeline_mode<synchronous>, transform_indices = @transform_3, window_bounds = array<i64: 4, 128>}, {pipeline_mode = #tpu.pipeline_mode<synchronous>, transform_indices = @transform_4, window_bounds = array<i64: 4, 128>}, {pipeline_mode = #tpu.pipeline_mode<synchronous>, transform_indices = @transform_5, window_bounds = array<i64: 1, 128>}, {pipeline_mode = #tpu.pipeline_mode<synchronous>, transform_indices = @transform_6, window_bounds = array<i64: 1, 128>}, {pipeline_mode = #tpu.pipeline_mode<synchronous>, transform_indices = @transform_7, window_bounds = array<i64: 128, 256>}, {pipeline_mode = #tpu.pipeline_mode<synchronous>, transform_indices = @transform_8, window_bounds = array<i64: 128, 256>}, {pipeline_mode = #tpu.pipeline_mode<synchronous>, transform_indices = @transform_9, window_bounds = array<i64: 1, 256>}, {pipeline_mode = #tpu.pipeline_mode<synchronous>, transform_indices = @transform_10, window_bounds = array<i64: 1, 256>}, {transform_indices = @transform_11, window_bounds = array<i64: 4000, 4>}]} {
    %get3A = arith.constant 0 : index
    %get3A_0 = arith.constant 0 : index
    %get3A_1 = vector.load %arg1[%get3A, %get3A_0] : memref<4000x128xi32, #tpu.memory_space<vmem>>, vector<4000x128xi32>
    %bitcast_convert_type3A = tpu.bitcast %get3A_1 : vector<4000x128xi32> -> vector<4000x128xi32>
    %shift_left3A = arith.constant 16 : i32
    %shift_left3A_2 = vector.broadcast %shift_left3A : i32 to vector<4000x128xi32>
    %shift_left3A_3 = arith.shli %bitcast_convert_type3A, %shift_left3A_2 : vector<4000x128xi32>
    %bitcast_convert_type3A_4 = tpu.bitcast %shift_left3A_3 : vector<4000x128xi32> -> vector<4000x128xf32>
    %and3A = arith.constant -65536 : i32
    %and3A_5 = vector.broadcast %and3A : i32 to vector<4000x128xi32>
    %and3A_6 = arith.andi %bitcast_convert_type3A, %and3A_5 : vector<4000x128xi32>
    %bitcast_convert_type3A_7 = tpu.bitcast %and3A_6 : vector<4000x128xi32> -> vector<4000x128xf32>
    %get3A_8 = arith.constant 0 : index
    %get3A_9 = arith.constant 0 : index
    %get3A_10 = vector.load %arg2[%get3A_8, %get3A_9] : memref<4000x4xf32, #tpu.memory_space<vmem>>, vector<4000x4xf32>
    %get3A_11 = arith.constant 0 : index
    %get3A_12 = arith.constant 0 : index
    %get3A_13 = vector.load %arg4[%get3A_11, %get3A_12] : memref<4x128xf32, #tpu.memory_space<vmem>>, vector<4x128xf32>
    %dot_general3A = arith.constant dense<0.000000e+00> : vector<4000x128xf32>
    %dot_general3A_14 = tpu.matmul %get3A_10, %get3A_13, %dot_general3A {dimension_numbers = #tpu.dot_dimension_numbers<[1], [0], [0], [1], [0, 0, 1, 1], [], []>, transpose_lhs_hint = false} : vector<4000x4xf32>, vector<4x128xf32>, vector<4000x128xf32> -> vector<4000x128xf32>
    %add3A = arith.addf %bitcast_convert_type3A_4, %dot_general3A_14 : vector<4000x128xf32>
    %get3A_15 = arith.constant 0 : index
    %get3A_16 = arith.constant 0 : index
    %get3A_17 = vector.load %arg6[%get3A_15, %get3A_16] : memref<1x128xf32, #tpu.memory_space<vmem>>, vector<1x128xf32>
    %add3A_18 = vector.broadcast %get3A_17 : vector<1x128xf32> to vector<4000x128xf32>
    %add3A_19 = arith.addf %add3A, %add3A_18 : vector<4000x128xf32>
    %get3A_20 = arith.constant 0 : index
    %get3A_21 = arith.constant 0 : index
    %get3A_22 = vector.load %arg5[%get3A_20, %get3A_21] : memref<4x128xf32, #tpu.memory_space<vmem>>, vector<4x128xf32>
    %dot_general3A_23 = arith.constant dense<0.000000e+00> : vector<4000x128xf32>
    %dot_general3A_24 = tpu.matmul %get3A_10, %get3A_22, %dot_general3A_23 {dimension_numbers = #tpu.dot_dimension_numbers<[1], [0], [0], [1], [0, 0, 1, 1], [], []>, transpose_lhs_hint = false} : vector<4000x4xf32>, vector<4x128xf32>, vector<4000x128xf32> -> vector<4000x128xf32>
    %add3A_25 = arith.addf %bitcast_convert_type3A_7, %dot_general3A_24 : vector<4000x128xf32>
    %get3A_26 = arith.constant 0 : index
    %get3A_27 = arith.constant 0 : index
    %get3A_28 = vector.load %arg7[%get3A_26, %get3A_27] : memref<1x128xf32, #tpu.memory_space<vmem>>, vector<1x128xf32>
    %add3A_29 = vector.broadcast %get3A_28 : vector<1x128xf32> to vector<4000x128xf32>
    %add3A_30 = arith.addf %add3A_25, %add3A_29 : vector<4000x128xf32>
    %logistic3A = arith.negf %add3A_19 : vector<4000x128xf32>
    %logistic3A_31 = math.exp %logistic3A : vector<4000x128xf32>
    %logistic3A_32 = arith.constant 1.000000e+00 : f32
    %logistic3A_33 = vector.broadcast %logistic3A_32 : f32 to vector<4000x128xf32>
    %logistic3A_34 = arith.addf %logistic3A_33, %logistic3A_31 : vector<4000x128xf32>
    %logistic3A_35 = arith.divf %logistic3A_33, %logistic3A_34 : vector<4000x128xf32>
    %mul3A = arith.mulf %add3A_19, %logistic3A_35 : vector<4000x128xf32>
    %logistic3A_36 = arith.negf %add3A_30 : vector<4000x128xf32>
    %logistic3A_37 = math.exp %logistic3A_36 : vector<4000x128xf32>
    %logistic3A_38 = arith.constant 1.000000e+00 : f32
    %logistic3A_39 = vector.broadcast %logistic3A_38 : f32 to vector<4000x128xf32>
    %logistic3A_40 = arith.addf %logistic3A_39, %logistic3A_37 : vector<4000x128xf32>
    %logistic3A_41 = arith.divf %logistic3A_39, %logistic3A_40 : vector<4000x128xf32>
    %mul3A_42 = arith.mulf %add3A_30, %logistic3A_41 : vector<4000x128xf32>
    %convert_element_type3A = arith.truncf %mul3A : vector<4000x128xf32> to vector<4000x128xbf16>
    %get3A_43 = arith.constant 0 : index
    %get3A_44 = arith.constant 0 : index
    %get3A_45 = vector.load %arg8[%get3A_43, %get3A_44] : memref<128x256xbf16, #tpu.memory_space<vmem>>, vector<128x256xbf16>
    %dot_general3A_46 = arith.constant dense<0.000000e+00> : vector<4000x256xf32>
    %dot_general3A_47 = tpu.matmul %convert_element_type3A, %get3A_45, %dot_general3A_46 {dimension_numbers = #tpu.dot_dimension_numbers<[1], [0], [0], [1], [0, 0, 1, 1], [], []>, transpose_lhs_hint = false} : vector<4000x128xbf16>, vector<128x256xbf16>, vector<4000x256xf32> -> vector<4000x256xf32>
    %convert_element_type3A_48 = arith.truncf %mul3A_42 : vector<4000x128xf32> to vector<4000x128xbf16>
    %get3A_49 = arith.constant 0 : index
    %get3A_50 = arith.constant 0 : index
    %get3A_51 = vector.load %arg9[%get3A_49, %get3A_50] : memref<128x256xbf16, #tpu.memory_space<vmem>>, vector<128x256xbf16>
    %dot_general3A_52 = arith.constant dense<0.000000e+00> : vector<4000x256xf32>
    %dot_general3A_53 = tpu.matmul %convert_element_type3A_48, %get3A_51, %dot_general3A_52 {dimension_numbers = #tpu.dot_dimension_numbers<[1], [0], [0], [1], [0, 0, 1, 1], [], []>, transpose_lhs_hint = false} : vector<4000x128xbf16>, vector<128x256xbf16>, vector<4000x256xf32> -> vector<4000x256xf32>
    %add3A_54 = arith.addf %dot_general3A_47, %dot_general3A_53 : vector<4000x256xf32>
    %get3A_55 = arith.constant 0 : index
    %get3A_56 = arith.constant 0 : index
    %get3A_57 = vector.load %arg10[%get3A_55, %get3A_56] : memref<1x256xf32, #tpu.memory_space<vmem>>, vector<1x256xf32>
    %add3A_58 = vector.broadcast %get3A_57 : vector<1x256xf32> to vector<4000x256xf32>
    %add3A_59 = arith.addf %add3A_54, %add3A_58 : vector<4000x256xf32>
    %logistic3A_60 = arith.negf %add3A_59 : vector<4000x256xf32>
    %logistic3A_61 = math.exp %logistic3A_60 : vector<4000x256xf32>
    %logistic3A_62 = arith.constant 1.000000e+00 : f32
    %logistic3A_63 = vector.broadcast %logistic3A_62 : f32 to vector<4000x256xf32>
    %logistic3A_64 = arith.addf %logistic3A_63, %logistic3A_61 : vector<4000x256xf32>
    %logistic3A_65 = arith.divf %logistic3A_63, %logistic3A_64 : vector<4000x256xf32>
    %mul3A_66 = arith.mulf %add3A_59, %logistic3A_65 : vector<4000x256xf32>
    %get3A_67 = arith.constant 0 : index
    %get3A_68 = arith.constant 0 : index
    %get3A_69 = vector.load %arg11[%get3A_67, %get3A_68] : memref<1x256xf32, #tpu.memory_space<vmem>>, vector<1x256xf32>
    %mul3A_70 = vector.broadcast %get3A_69 : vector<1x256xf32> to vector<4000x256xf32>
    %mul3A_71 = arith.mulf %mul3A_66, %mul3A_70 : vector<4000x256xf32>
    %reduce_sum3A = arith.constant dense<0.000000e+00> : vector<4000xf32>
    %reduce_sum3A_72 = vector.multi_reduction <add>, %mul3A_71, %reduce_sum3A [1] : vector<4000x256xf32> to vector<4000xf32>
    %broadcast_in_dim3A = vector.shape_cast %reduce_sum3A_72 : vector<4000xf32> to vector<4000x1xf32>
    %get3A_73 = arith.constant 0 : index
    %get3A_74 = arith.constant 0 : index
    %get3A_75 = vector.load %arg3[%get3A_73, %get3A_74] : memref<4000x3xf32, #tpu.memory_space<vmem>>, vector<4000x3xf32>
    %jit3A = arith.constant 0 : i32
    %convert_element_type3A_76 = arith.sitofp %jit3A : i32 to f32
    %pad3A = vector.broadcast %convert_element_type3A_76 : f32 to vector<4000x1xf32>
    %pad3A_77 = tpu.concatenate %get3A_75, %pad3A in 1 : vector<4000x3xf32>, vector<4000x1xf32> -> vector<4000x4xf32>
    %tanh3A = math.tanh %broadcast_in_dim3A : vector<4000x1xf32>
    %mul3A_78 = arith.constant 1.000000e+02 : f32
    %mul3A_79 = vector.broadcast %mul3A_78 : f32 to vector<4000x1xf32>
    %mul3A_80 = arith.mulf %tanh3A, %mul3A_79 : vector<4000x1xf32>
    %mul3A_81 = vector.broadcast %mul3A_80 : vector<4000x1xf32> to vector<4000x4xf32>
    %mul3A_82 = arith.mulf %pad3A_77, %mul3A_81 : vector<4000x4xf32>
    %swap3A = arith.constant 0 : index
    %swap3A_83 = arith.constant 0 : index
    %swap3A_84 = vector.load %arg12[%swap3A, %swap3A_83] : memref<4000x4xf32, #tpu.memory_space<vmem>>, vector<4000x4xf32>
    tpu.vector_store %arg12[%swap3A, %swap3A_83], %mul3A_82 {strides = array<i32>} : memref<4000x4xf32, #tpu.memory_space<vmem>>, vector<4000x4xf32>,
    return
  }
  func.func @transform_0(%arg0: i32) -> (i32, i32) {
    %c0_i32 = arith.constant 0 : i32
    %c0_i32_0 = arith.constant 0 : i32
    return %arg0, %c0_i32 : i32, i32
  }
  func.func @transform_1(%arg0: i32) -> (i32, i32) {
    %c0_i32 = arith.constant 0 : i32
    %c0_i32_0 = arith.constant 0 : i32
    return %arg0, %c0_i32 : i32, i32
  }
  func.func @transform_2(%arg0: i32) -> (i32, i32) {
    %c0_i32 = arith.constant 0 : i32
    %c0_i32_0 = arith.constant 0 : i32
    return %arg0, %c0_i32 : i32, i32
  }
  func.func @transform_3(%arg0: i32) -> (i32, i32) {
    %c0_i32 = arith.constant 0 : i32
    %c0_i32_0 = arith.constant 0 : i32
    %c0_i32_1 = arith.constant 0 : i32
    return %c0_i32, %c0_i32_0 : i32, i32
  }
  func.func @transform_4(%arg0: i32) -> (i32, i32) {
    %c0_i32 = arith.constant 0 : i32
    %c0_i32_0 = arith.constant 0 : i32
    %c0_i32_1 = arith.constant 0 : i32
    return %c0_i32, %c0_i32_0 : i32, i32
  }
  func.func @transform_5(%arg0: i32) -> (i32, i32) {
    %c0_i32 = arith.constant 0 : i32
    %c0_i32_0 = arith.constant 0 : i32
    %c0_i32_1 = arith.constant 0 : i32
    return %c0_i32, %c0_i32_0 : i32, i32
  }
  func.func @transform_6(%arg0: i32) -> (i32, i32) {
    %c0_i32 = arith.constant 0 : i32
    %c0_i32_0 = arith.constant 0 : i32
    %c0_i32_1 = arith.constant 0 : i32
    return %c0_i32, %c0_i32_0 : i32, i32
  }
  func.func @transform_7(%arg0: i32) -> (i32, i32) {
    %c0_i32 = arith.constant 0 : i32
    %c0_i32_0 = arith.constant 0 : i32
    %c0_i32_1 = arith.constant 0 : i32
    return %c0_i32, %c0_i32_0 : i32, i32
  }
  func.func @transform_8(%arg0: i32) -> (i32, i32) {
    %c0_i32 = arith.constant 0 : i32
    %c0_i32_0 = arith.constant 0 : i32
    %c0_i32_1 = arith.constant 0 : i32
    return %c0_i32, %c0_i32_0 : i32, i32
  }
  func.func @transform_9(%arg0: i32) -> (i32, i32) {
    %c0_i32 = arith.constant 0 : i32
    %c0_i32_0 = arith.constant 0 : i32
    %c0_i32_1 = arith.constant 0 : i32
    return %c0_i32, %c0_i32_0 : i32, i32
  }
  func.func @transform_10(%arg0: i32) -> (i32, i32) {
    %c0_i32 = arith.constant 0 : i32
    %c0_i32_0 = arith.constant 0 : i32
    %c0_i32_1 = arith.constant 0 : i32
    return %c0_i32, %c0_i32_0 : i32, i32
  }
  func.func @transform_11(%arg0: i32) -> (i32, i32) {
    %c0_i32 = arith.constant 0 : i32
    %c0_i32_0 = arith.constant 0 : i32
    return %arg0, %c0_i32 : i32, i32
  }
}

module attributes {stable_mosaic.version = 14 : i64} {
  func.func @_final_body(%arg0: memref<2x40000xf32, #tpu.memory_space<vmem>>, %arg1: memref<1x40000xf32, #tpu.memory_space<vmem>>, %arg2: memref<1x40000xf32, #tpu.memory_space<vmem>>) attributes {dimension_semantics = [], scalar_prefetch = 0 : i64, scratch_operands = 0 : i64, tpu.core_type = #tpu.core_type<tc>} {
    %get3A = arith.constant 0 : index
    %get3A_0 = arith.constant 0 : index
    %get3A_1 = vector.load %arg0[%get3A, %get3A_0] : memref<2x40000xf32, #tpu.memory_space<vmem>>, vector<2x40000xf32>
    %reduce_sum3A = arith.constant dense<0.000000e+00> : vector<40000xf32>
    %reduce_sum3A_2 = vector.multi_reduction <add>, %get3A_1, %reduce_sum3A [0] : vector<2x40000xf32> to vector<40000xf32>
    %broadcast_in_dim3A = vector.shape_cast %reduce_sum3A_2 : vector<40000xf32> to vector<1x40000xf32>
    %get3A_3 = arith.constant 0 : index
    %get3A_4 = arith.constant 0 : index
    %get3A_5 = vector.load %arg1[%get3A_3, %get3A_4] : memref<1x40000xf32, #tpu.memory_space<vmem>>, vector<1x40000xf32>
    %mul3A = arith.constant 0.00999999977 : f32
    %mul3A_6 = vector.broadcast %mul3A : f32 to vector<1x40000xf32>
    %mul3A_7 = arith.mulf %broadcast_in_dim3A, %mul3A_6 : vector<1x40000xf32>
    %add3A = arith.addf %get3A_5, %mul3A_7 : vector<1x40000xf32>
    %swap3A = arith.constant 0 : index
    %swap3A_8 = arith.constant 0 : index
    %swap3A_9 = vector.load %arg2[%swap3A, %swap3A_8] : memref<1x40000xf32, #tpu.memory_space<vmem>>, vector<1x40000xf32>
    tpu.vector_store %arg2[%swap3A, %swap3A_8], %add3A {strides = array<i32>} : memref<1x40000xf32, #tpu.memory_space<vmem>>, vector<1x40000xf32>,
    return
  }
}

</mosaic_0001>

<sc_bundles>
// kernel: kernel.10.cloned.1.call-start
scs
__scs_entry_jumppad:
0x0: {  	(pc) =	sbr.rel $0x88, $3  }
0x1: {  	(tag) =	ssettag $0x0;
	lr =	simm.s32 $0x1  }
0x2: {  	[smem:$0x3F97] =	sst lr;
	_ =	strace $0xD0000000  }
0x3: {  	_ = 	snop  }
0x4: {  	_ = 	snop  }
0x5: {  	_ = 	snop  }
0x6: {  	_ = 	snop  }
0x7: {  	_ = 	snop  }
__scs_overlays_trampoline_lowered:
0x8: {  	[smem:$0x3FA6] =	sst s0  }
0x9: {  	[smem:$0x3FA7] =	sst s1  }
0xa: {  	[smem:$0x3FA8] =	sst s2  }
0xb: {  	[smem:$0x3FA9] =	sst s3  }
0xc: {  	[smem:$0x3FAA] =	sst s4  }
0xd: {  	[smem:$0x3FAB] =	sst s5  }
0xe: {  	[smem:$0x3FAC] =	sst s6  }
0xf: {  	[smem:$0x3FAD] =	sst s7  }
0x10: {  	[smem:$0x3FAE] =	sst s8  }
0x11: {  	[smem:$0x3FAF] =	sst s9;
	s0 =	simm.s32 @!p0 $0x0  }
0x12: {  	s1 =	sld [smem:$0x3F95];
	s0 =	simm.s32 @p0 $0x1  }
0x13: {  	[smem:$0x3FB0] =	sst s0;
	s0 =	simm.s32 @!p1 $0x0  }
0x14: {  	s2 =	sld [smem:$0x3F94];
	s0 =	simm.s32 @p1 $0x1  }
0x15: {  	[smem:$0x3FB1] =	sst s0;
	s0 =	simm.s32 @!p2 $0x0  }
0x16: {  	s3 =	sld [smem:$0x3FDB];
	s0 =	simm.s32 @p2 $0x1  }
0x17: {  	s4 =	simm.s32 $0x1BF5;
	[smem:$0x3FB3] =	sst s0  }
0x18: {  	s0 =	sld [smem:$0x3F96];
	_ =	swait.ge [sflag:s4], $0x0  }
0x19: {  	s7 =	sld [smem:$0x3F97]  }
0x1a: {  	s8 =	sadd.s32 $0xFFFFE003, lr  }
0x1b: {  	s9 =	sadd.s32 $0xFFFFFEF7, lr;
	s5 =	simm.s32 $0xFFFFFFFF;
	p2 =	slt.u32 s8, $0xFFFFF086  }
0x1c: {  	p1 =	slt.u32 s9, $0xF7A;
	s5 =	simm.s32 @!p2 $0x0  }
0x1d: {  	s5 =	simm.s32 @p1 $0x1;
	p0 =	seq.s32 s7, s2  }
0x1e: {  	s7 =	smul.u32 @!p0 $0xF7A, s2;
	p2 =	seq.s32 @!p0 s5, $0x0  }
0x1f: {  	s9 =	smul.u32 $0xF7A, s1;
	s8 =	simm.s32 @!p0 $0x1BF5;
	p2 =	por !p2, p0  }
0x20: {  	[sflag:s8] =	ssyncset.s32 @!p0 $0xFFFFF086;
	s6 =	sadd.s32 @!p0 s3, s7;
	s7 =	simm.s32 @!p0 $0x108  }
0x21: {  	s3 =	sadd.s32 s3, s9;
	s6 =	sadd.s32 @!p0 $0x88, s6;
	s7 =	simm.s32 @p2 $0x1082  }
0x22: {  	[simem:s7], [sflag:s8] =	dma.local @!p0 [hbm:s6], $0xF7A  }
0x23: {  	s9 =	sor.u32 $0xD0000000, s2;
	s6 =	simm.s32 $0x108;
	_ =	swait.ge @!p0 [sflag:s8], $0x0  }
0x24: {  	s3 =	sadd.s32 $0x88, s3;
	s6 =	simm.s32 @!p1 $0x1082;
	[sflag:s4] =	ssyncset.s32 $0xFFFFF086  }
0x25: {  	[simem:s6], [sflag:s4] =	dma.local [hbm:s3], $0xF7A  }
0x26: {  	[smem:$0x3F97] =	sst s1;
	(tag) =	ssettag s2;
	_ =	strace s9  }
0x27: {  	s1 =	sld [smem:$0x3FA7]  }
0x28: {  	s2 =	sld [smem:$0x3FA8]  }
0x29: {  	s4 =	sld [smem:$0x3FAA]  }
0x2a: {  	p0 =	seq.s32 s5, $0x0;
	s5 =	sld [smem:$0x3FAB]  }
0x2b: {  	s6 =	sld [smem:$0x3FAC]  }
0x2c: {  	s7 =	sld [smem:$0x3FAD]  }
0x2d: {  	s3 =	simm.s32 $0x108;
	s8 =	sld [smem:$0x3FAE]  }
0x2e: {  	s3 =	simm.s32 @!p0 $0x1082;
	s9 =	sld [smem:$0x3FAF]  }
0x2f: {  	lr =	sadd.s32 s0, s3;
	s0 =	sld [smem:$0x3FA6]  }
0x30: {  	s3 =	sld [smem:$0x3FA9]  }
0x31: {  	[smem:$0x3FB2] =	sst s10  }
0x32: {  	s10 =	sld [smem:$0x3FB0];
	_ =	sdelay $0x3  }
0x33: {  	p0 =	seq.s32 s10, $0x1;
	s10 =	sld [smem:$0x3FB2];
	_ =	sdelay $0x3  }
0x34: {  	[smem:$0x3FB2] =	sst s10  }
0x35: {  	s10 =	sld [smem:$0x3FB1];
	_ =	sdelay $0x3  }
0x36: {  	p1 =	seq.s32 s10, $0x1;
	s10 =	sld [smem:$0x3FB2];
	_ =	sdelay $0x3  }
0x37: {  	[smem:$0x3FB2] =	sst s10  }
0x38: {  	s10 =	sld [smem:$0x3FB3]  }
0x39: {  	_ = 	snop;
	(pc) =	sbr.ind lr, $3  }
0x3a: {  	_ = 	snop  }
0x3b: {  	_ = 	snop  }
0x3c: {  	p2 =	seq.s32 s10, $0x1;
	s10 =	sld [smem:$0x3FB2]  }
0x3d: {  	_ =	shalt  }
0x3e: {  	_ =	shalt  }
0x3f: {  	_ =	shalt  }
0x40: {  	_ =	shalt  }
0x41: {  	_ =	shalt  }
0x42: {  	_ =	shalt  }
0x43: {  	_ =	shalt  }
0x44: {  	_ =	shalt  }
0x45: {  	_ =	shalt  }
0x46: {  	_ =	shalt  }
0x47: {  	_ =	shalt  }
0x48: {  	_ =	shalt  }
0x49: {  	_ =	shalt  }
0x4a: {  	_ =	shalt  }
0x4b: {  	_ =	shalt  }
0x4c: {  	_ =	shalt  }
0x4d: {  	_ =	shalt  }
0x4e: {  	_ =	shalt  }
0x4f: {  	_ =	shalt  }
0x50: {  	_ =	shalt  }
0x51: {  	_ =	shalt  }
0x52: {  	_ =	shalt  }
0x53: {  	_ =	shalt  }
0x54: {  	_ =	shalt  }
0x55: {  	_ =	shalt  }
0x56: {  	_ =	shalt  }
0x57: {  	_ =	shalt  }
0x58: {  	_ =	shalt  }
0x59: {  	_ =	shalt  }
0x5a: {  	_ =	shalt  }
0x5b: {  	_ =	shalt  }
0x5c: {  	_ =	shalt  }
0x5d: {  	_ =	shalt  }
0x5e: {  	_ =	shalt  }
0x5f: {  	_ =	shalt  }
0x60: {  	_ =	shalt  }
0x61: {  	_ =	shalt  }
0x62: {  	_ =	shalt  }
0x63: {  	_ =	shalt  }
0x64: {  	_ =	shalt  }
0x65: {  	_ =	shalt  }
0x66: {  	_ =	shalt  }
0x67: {  	_ =	shalt  }
0x68: {  	_ =	shalt  }
0x69: {  	_ =	shalt  }
0x6a: {  	_ =	shalt  }
0x6b: {  	_ =	shalt  }
0x6c: {  	_ =	shalt  }
0x6d: {  	_ =	shalt  }
0x6e: {  	_ =	shalt  }
0x6f: {  	_ =	shalt  }
0x70: {  	_ =	shalt  }
0x71: {  	_ =	shalt  }
0x72: {  	_ =	shalt  }
0x73: {  	_ =	shalt  }
0x74: {  	_ =	shalt  }
0x75: {  	_ =	shalt  }
0x76: {  	_ =	shalt  }
0x77: {  	_ =	shalt  }
0x78: {  	_ =	shalt  }
0x79: {  	_ =	shalt  }
0x7a: {  	_ =	shalt  }
0x7b: {  	_ =	shalt  }
0x7c: {  	_ =	shalt  }
0x7d: {  	_ =	shalt  }
0x7e: {  	_ =	shalt  }
0x7f: {  	_ =	shalt  }
0x80: {  	_ =	shalt  }
0x81: {  	_ =	shalt  }
0x82: {  	_ =	shalt  }
0x83: {  	_ =	shalt  }
0x84: {  	_ =	shalt  }
0x85: {  	_ =	shalt  }
0x86: {  	_ =	shalt  }
0x87: {  	_ =	shalt  }
.Lfunc_end0:
.L_simem_size_0:
called_computation.1_lowered:
.L_overlay_start_0:
0x88: {  	s2 =	sld [smem:$0x3FD9]  }
0x89: {  	s3 =	sld [smem:$0x3FFE];
	_ =	sdelay $0x1  }
0x8a: {  	s1 =	srdreg.scid  }
0x8b: {  	s0 =	sand.u32 $0x1, s1  }
0x8c: {  	s17 =	sshll.u32 s0, $0xA;
	s2 =	sadd.s32 s3, s2  }
0x8d: {  	s2 =	sadd.s32 s2, s17  }
0x8e: {  	[smem:$0x3FBE] =	sst s2  }
0x8f: {  	_ = 	snop  }
0x90: {  	s2 =	sld [smem:$0x3FD0];
	(tm) =	ssettm $0x1  }
0x91: {  	s18 =	sld [smem:$0x3FFB];
	_ =	sdelay $0x3  }
0x92: {  	_ =	strace s18  }
0x93: {  	s3 =	sld [smem:$0x3FFC];
	_ =	sdelay $0x3  }
0x94: {  	_ =	strace s3  }
0x95: {  	s3 =	sld [smem:$0x3FFD];
	_ =	sdelay $0x3  }
0x96: {  	_ =	strace s3  }
0x97: {  	_ =	strace $0x8FFFFFFF  }
0x98: {  	s19 =	sld [smem:$0x3FDB];
	_ =	sdelay $0x1  }
0x99: {  	s4 =	simm.s32 $_scs_section_size  }
0x9a: {  	s5 =	simm.s32 $_size__tile_overlayer_lowered;
	s6 =	simm.s32 $_tile_overlayer_lowered  }
0x9b: {  	s22 =	simm.s32 $0x1BFF;
	s21 =	sshll.u32 s6, $0x1;
	s3 =	sadd.s32 s4, s19  }
0x9c: {  	s7 =	simm.s32 $0x0;
	s20 =	sshll.u32 s5, $0x1;
	s5 =	sadd.s32 s21, s3  }
0x9d: {  	[timem:s7], [sflag:s22] =	dma.local [hbm:s5], s20  }
0x9e: {  	_ =	swait.ge [sflag:s22], s20  }
0x9f: {  	s4 =	ssub.s32 $0x0, s20;
	[sflag:s22] =	ssyncset.done $0x0  }
0xa0: {  	[sflag:s22] =	ssyncadd.s32 s4;
	_ =	sdelay $0x1  }
0xa1: {  	s23 =	simm.s32 $0x1B8B  }
0xa2: {  	_ =	swait.ge [sflag:s23], $0x1  }
0xa3: {  	[sflag:s23] =	ssyncset.done $0x0  }
0xa4: {  	s25 =	simm.s32 $0x1B8E;
	s24 =	sld [smem:$0x3FFE];
	[sflag:s23] =	ssyncadd.s32 $0xFFFFFFFF  }
0xa5: {  	s26 =	simm.s32 $execute0_lowered;
	[smem:$0x3FD2] =	sst s25  }
0xa6: {  	s5 =	sshll.u32 s26, $0x1;
	_ =	strace $0x80000049;
	[dreg:$0x1] =	wrdreg $0xFFFFFFFF  }
0xa7: {  	s28 =	simm.s32 $_size_execute0_lowered;
	s3 =	sadd.s32 s3, s5;
	[dreg:$0x0] =	wrdreg $0x0  }
0xa8: {  	s5 =	sshll.u32 s28, $0x1;
	[dreg:$0x2] =	wrdreg s3  }
0xa9: {  	[dreg:$0x3] =	wrdreg s5  }
0xaa: {  	[dreg:$0x4] =	wrdreg $0xC0  }
0xab: {  	_ =	task [dreg:s7], $0x5FFFF  }
0xac: {  	[dreg:$0x1] =	wrdreg $0xFFFFFFFF  }
0xad: {  	[dreg:$0x0] =	wrdreg $0x60  }
0xae: {  	[dreg:$0x2] =	wrdreg s24  }
0xaf: {  	[dreg:$0x3] =	wrdreg s2  }
0xb0: {  	[dreg:$0x4] =	wrdreg $0x98800  }
0xb1: {  	[dreg:$0x5] =	wrdreg $0x9  }
0xb2: {  	_ =	task.clear_ibuf [dreg:s7], $0x6FFFF;
	_ =	strace $0x90000049  }
0xb3: {  	s29 =	simm.s32 $0x9;
	_ =	strace $0x8000004B  }
0xb4: {  	_ =	swait.ge [sflag:s29], $0x1  }
0xb5: {  	[sflag:s29] =	ssyncadd.s32 $0xFFFFFFFF  }
0xb6: {  	_ =	strace $0x9000004B  }
0xb7: {  	_ =	sfence  }
0xb8: {  	s30 =	sld [smem:$0x0];
	_ =	sdelay $0x2  }
0xb9: {  	s31 =	sshll.u32 s1, $0xD;
	s1 =	sshrl.u32 s1, $0x2  }
0xba: {  	s3 =	sand.u32 $0x4000, s31;
	s1 =	sadd.s32 s1, s30  }
0xbb: {  	s0 =	sor.u32 s3, s0;
	s1 =	sshll.u32 s1, $0x11  }
0xbc: {  	s0 =	sor.u32 s1, s0  }
0xbd: {  	s0 =	sadd.s32 $0x8F2B, s0  }
0xbe: {  	[sflag:s0] =	ssyncadd.remote.s32 $0x1  }
0xbf: {  	_ =	sfence.sel $0xFFFF  }
0xc0: {  	[dreg:$0x0] =	wrdreg $0xFFFFFFFF;
	(pc) =	sbr.abs _section_cstart, $3  }
0xc1: {  	[dreg:$0x1] =	wrdreg $0xFFFFFFFF  }
0xc2: {  	_ =	task.clear_ibuf [dreg:s7], $0x2FFFF;
	_ =	strace $0x9FFFFFFF  }
0xc3: {  	(tm) =	ssettm $0x7FFFFFFF  }
tec
execute0_lowered:
.L_overlay_start_1:
0x0: {  	(tag) =	ssettag $0x1  }
0x1: {  	s4 =	rddreg [dreg:$0x0]  }
0x2: {  	s6 =	rddreg [dreg:$0x1];
	s1 =	stileid.u32  }
0x3: {  	s2 =	rddreg [dreg:$0x2];
	s20 =	smul.u32 $0x1F400, s1  }
0x4: {  	s3 =	srdreg.scid;
	s12 =	smul.u32 $0x3E80, s1  }
0x5: {  	s0 =	rddreg [dreg:$0x3];
	s22 =	smul.u32 $0x7D000, s1  }
0x6: {  	s18 =	simm.s32 $0x80;
	s19 =	simm.s32 $0x5480;
	s26 =	smul.u32 $0x138800, s1  }
0x7: {  	s10 =	sand.u32 $0x1, s3;
	s3 =	simm.s32 $0x0;
	s17 =	smul.u32 $0x27100, s1  }
0x8: {  	s5 =	sshll.u32 s1, $0x1;
	s11 =	sadd.s32 $0x7C0C00, s4;
	s7 =	smul.u32 $0x138800, s10  }
0x9: {  	p0 =	sgt.u32 s1, $0x9;
	[smem:$0x7FF] =	sst s3;
	s29 =	smul.u32 $0x9C400, s10  }
0xa: {  	s8 =	sor.u32 s10, s5;
	s23 =	ssub.s32 $0x2, s10;
	s30 =	smul.u32 $0x13880, s10  }
0xb: {  	_ =	strace $0x8000004A;
	s9 =	smul.u32 $0x280, s8;
	s12 =	sadd.s32 s12, s4  }
0xc: {  	s24 =	sshrl.u32 s23, $0x1;
	s14 =	smul.u32 $0x9C400, s8;
	s8 =	sshll.u32 s8, $0x4  }
0xd: {  	s31 =	sadd.s32 s17, s11;
	s17 =	simm.s32 $0x1480;
	s5 =	sadd.s32 s20, s7  }
0xe: {  	s15 =	ssub.s32 s23, s24;
	s6 =	sadd.s32 s6, s8;
	s20 =	simm.s32 $0x1  }
0xf: {  	s23 =	simm.s32 $0x8;
	s24 =	simm.s32 $0x0;
	s21 =	sadd.s32 s9, s4  }
0x10: {  	s5 =	sshrl.u32 s5, $0x3;
	s9 =	sshrl.u32 s22, $0x2;
	s25 =	sshrl.u32 s14, $0x3  }
0x11: {  	s10 =	smax.u32 s15, $0x1;
	s15 =	simm.s32 $0x2;
	s22 =	simm.s32 $0x9480  }
0x12: {  	s13 =	sadd.s32 s5, s4;
	s16 =	sadd.s32 s9, s2;
	s4 =	sadd.s32 $0x1000, s12  }
0x13: {  	s5 =	sadd.s32 $0x7BBC00, s21;
	s28 =	sadd.s32 s11, s25;
	s12 =	sadd.s32 s29, s26  }
0x14: {  	s21 =	simm.s32 $0x1300;
	s7 =	sadd.s32 $0x13000, s28;
	s8 =	sadd.s32 $0x13800, s28  }
0x15: {  	s9 =	sadd.s32 $0x28200, s13;
	s12 =	sshrl.u32 s12, $0x3;
	s13 =	sadd.s32 s30, s31  }
0x16: {  	s11 =	sadd.s32 s12, s11;
	s12 =	sadd.s32 $0x800, s13;
	s13 =	sshll.u32 @!p0 s1, $0x6  }
0x17: {  	s14 =	sshrl.u32 @!p0 s16, $0x3;
	s16 =	simm.s32 $0x1400;
	s13 =	sor.u32 @!p0 $0x1C02, s13  }
.LBB2_1:
0x18: {  	[spmem:s14], [sflag:s13] =	dma.local @!p0 [hbm:s4], $0x3E80  }
0x19: {  	s25 =	simm.s32 @!p0 $0x2  }
0x1a: {  	_ =	swait.ge @!p0 [sflag:s25], $0x3E80  }
0x1b: {  	[sflag:s25] =	ssyncset.done @!p0 $0x0  }
0x1c: {  	[sflag:s25] =	ssyncadd.s32 @!p0 $0xFFFFC180  }
0x1d: {  	[tilespmem:s3], [sflag:$0x2] =	stream.linear.gather [hbm4b:s5+s3], $0x1380, $0x38;
	[tilespmem:$0xA248] =	vst v63  }
0x1e: {  	_ =	swait.ge [sflag:s15], $0x1380  }
0x1f: {  	[sflag:s15] =	ssyncset.done $0x0  }
0x20: {  	[sflag:s15] =	ssyncadd.s32 $0xFFFFEC80  }
0x21: {  	[tilespmem:s16], [sflag:$0x2] =	stream.linear.gather [hbm4b:s6+s3], $0x80, $0x38;
	[tilespmem:$0xA248] =	vst v63  }
0x22: {  	_ =	swait.ge [sflag:s15], $0x80  }
0x23: {  	[sflag:s15] =	ssyncset.done $0x0  }
0x24: {  	[sflag:s15] =	ssyncadd.s32 $0xFFFFFF80  }
0x25: {  	s29 =	sadd.s32 $0x0, s11;
	[bflag:$0x0] =	sbarrier.arrive $0xFFFF  }
0x26: {  	[tilespmem:s17], [sflag:$0x2] =	stream.linear.gather [hbm4b:s29+s3], $0x4000, $0x38;
	[tilespmem:$0xA248] =	vst v63  }
0x27: {  	_ =	swait.ge [sflag:s15], $0x4000  }
0x28: {  	[sflag:s15] =	ssyncset.done $0x0  }
0x29: {  	[sflag:s15] =	ssyncadd.s32 $0xFFFFC000  }
0x2a: {  	[spmem:s2] =	stream.indirect.scatter.add.f32 [tilespmem:s17], [sflag:$0x1], $0x4, s3, s18, $0xb8;
	[tilespmem:$0xA248] =	vst v63  }
0x2b: {  	s30 =	sadd.s32 $0x0, s12  }
0x2c: {  	[tilespmem:s19], [sflag:$0x2] =	stream.linear.gather [hbm4b:s30+s3], $0x4000, $0x38;
	[tilespmem:$0xA248] =	vst v63  }
0x2d: {  	_ =	swait.ge [sflag:s15], $0x4000  }
0x2e: {  	[sflag:s15] =	ssyncset.done $0x0  }
0x2f: {  	s31 =	simm.s32 $0x80;
	[sflag:s15] =	ssyncadd.s32 $0xFFFFC000  }
0x30: {  	[spmem:s2] =	stream.indirect.scatter.add.f32 [tilespmem:s19], [sflag:$0x1], $0x4, s31, s18, $0xb8;
	[tilespmem:$0xA248] =	vst v63  }
0x31: {  	_ =	swait.ge [sflag:s20], $0x200  }
0x32: {  	[sflag:s20] =	ssyncset.done $0x0  }
0x33: {  	[sflag:s20] =	ssyncadd.s32 $0xFFFFFE00  }
0x34: {  	s26 =	simm.s32 $0x1000;
	_ =	swait.ge [sflag:s20], $0x200  }
0x35: {  	s28 =	simm.s32 $0x2000;
	s25 =	simm.s32 $0x100;
	[sflag:s20] =	ssyncset.done $0x0  }
.LBB2_2:
0x36: {  	s29 =	sadd.s32 s26, s11  }
0x37: {  	[sflag:s20] =	ssyncadd.s32 $0xFFFFFE00;
	s30 =	smov.u32 s28;
	s31 =	sadd.s32 $0x1000, s28  }
0x38: {  	[tilespmem:s17], [sflag:$0x2] =	stream.linear.gather [hbm4b:s29+s3], $0x4000, $0x38;
	[tilespmem:$0xA248] =	vst v63  }
0x39: {  	p1 =	sne.s32 s28, $0x12000;
	_ =	swait.ge [sflag:s15], $0x4000  }
0x3a: {  	[sflag:s15] =	ssyncset.done $0x0  }
0x3b: {  	[sflag:s15] =	ssyncadd.s32 $0xFFFFC000  }
0x3c: {  	[spmem:s2] =	stream.indirect.scatter.add.f32 [tilespmem:s17], [sflag:$0x1], $0x4, s25, s18, $0xb8;
	[tilespmem:$0xA248] =	vst v63  }
0x3d: {  	s28 =	sadd.s32 s26, s12;
	s26 =	smov.u32 s30  }
0x3e: {  	[tilespmem:s19], [sflag:$0x2] =	stream.linear.gather [hbm4b:s28+s3], $0x4000, $0x38;
	[tilespmem:$0xA248] =	vst v63  }
0x3f: {  	_ =	swait.ge [sflag:s15], $0x4000  }
0x40: {  	[sflag:s15] =	ssyncset.done $0x0  }
0x41: {  	s28 =	sadd.s32 $0x80, s25;
	[sflag:s15] =	ssyncadd.s32 $0xFFFFC000  }
0x42: {  	[spmem:s2] =	stream.indirect.scatter.add.f32 [tilespmem:s19], [sflag:$0x1], $0x4, s28, s18, $0xb8;
	[tilespmem:$0xA248] =	vst v63  }
.Ltmp0:
0x43: {  	_ =	swait.ge [sflag:s20], $0x200;
	(pc) =	sbr.rel @p1 .LBB2_2-.Ltmp0, $4  }
0x44: {  	[sflag:s20] =	ssyncset.done $0x0  }
0x45: {  	[sflag:s20] =	ssyncadd.s32 $0xFFFFFE00  }
0x46: {  	_ =	swait.ge [sflag:s20], $0x200  }
0x47: {  	s25 =	sadd.s32 $0x100, s25;
	s28 =	smov.u32 s31;
	[sflag:s20] =	ssyncset.done $0x0  }
0x48: {  	s28 =	sadd.s32 s26, s11;
	[sflag:s20] =	ssyncadd.s32 $0xFFFFFE00  }
0x49: {  	[tilespmem:s17], [sflag:$0x2] =	stream.linear.gather [hbm4b:s28+s3], $0x4000, $0x38;
	[tilespmem:$0xA248] =	vst v63  }
0x4a: {  	_ =	swait.ge [sflag:s15], $0x4000  }
0x4b: {  	[sflag:s15] =	ssyncset.done $0x0  }
0x4c: {  	[sflag:s15] =	ssyncadd.s32 $0xFFFFC000  }
0x4d: {  	[spmem:s2] =	stream.indirect.scatter.add.f32 [tilespmem:s17], [sflag:$0x1], $0x4, s25, s18, $0xb8;
	[tilespmem:$0xA248] =	vst v63  }
0x4e: {  	s30 =	sadd.s32 s26, s12  }
0x4f: {  	[tilespmem:s19], [sflag:$0x2] =	stream.linear.gather [hbm4b:s30+s3], $0x4000, $0x38;
	[tilespmem:$0xA248] =	vst v63  }
0x50: {  	_ =	swait.ge [sflag:s15], $0x4000  }
0x51: {  	[sflag:s15] =	ssyncset.done $0x0  }
0x52: {  	s31 =	sadd.s32 $0x80, s25;
	[sflag:s15] =	ssyncadd.s32 $0xFFFFC000  }
0x53: {  	[spmem:s2] =	stream.indirect.scatter.add.f32 [tilespmem:s19], [sflag:$0x1], $0x4, s31, s18, $0xb8;
	[tilespmem:$0xA248] =	vst v63  }
0x54: {  	_ =	swait.ge [sflag:s20], $0x200  }
0x55: {  	[sflag:s20] =	ssyncset.done $0x0  }
0x56: {  	[sflag:s20] =	ssyncadd.s32 $0xFFFFFE00  }
0x57: {  	_ =	swait.ge [sflag:s20], $0x200  }
0x58: {  	[sflag:s20] =	ssyncset.done $0x0  }
0x59: {  	[sflag:s20] =	ssyncadd.s32 $0xFFFFFE00  }
0x5a: {  	[tilespmem:s17], [sflag:$0x2] =	stream.linear.gather [hbm4b:s7+s3], $0x4000, $0x38;
	[tilespmem:$0xA248] =	vst v63  }
0x5b: {  	_ =	swait.ge [sflag:s15], $0x4000  }
0x5c: {  	[sflag:s15] =	ssyncset.done $0x0  }
0x5d: {  	[sflag:s15] =	ssyncadd.s32 $0xFFFFC000  }
0x5e: {  	[spmem:s2] =	stream.indirect.scatter.add.f32 [tilespmem:s17], [sflag:$0x1], $0x4, s21, s18, $0xb8;
	[tilespmem:$0xA248] =	vst v63  }
0x5f: {  	_ = 	snop  }
0x60: {  	[tilespmem:s22], [sflag:$0x2] =	stream.linear.gather [hbm4b:s8+s3], $0x400, $0x38;
	[tilespmem:$0xA248] =	vst v63  }
0x61: {  	_ =	swait.ge [sflag:s15], $0x400  }
0x62: {  	[sflag:s15] =	ssyncset.done $0x0  }
0x63: {  	[sflag:s15] =	ssyncadd.s32 $0xFFFFFC00  }
0x64: {  	[spmem:s2] =	stream.indirect.scatter.add.f32 [tilespmem:s22], [sflag:$0x1], $0x4, s16, s23, $0xb8;
	[tilespmem:$0xA248] =	vst v63  }
0x65: {  	_ =	swait.ge [sflag:s20], $0x200  }
0x66: {  	[sflag:s20] =	ssyncset.done $0x0  }
0x67: {  	[sflag:s20] =	ssyncadd.s32 $0xFFFFFE00  }
0x68: {  	_ =	swait.ge [sflag:s20], $0x20  }
0x69: {  	s24 =	sadd.s32 $0x1, s24;
	[sflag:s20] =	ssyncset.done $0x0  }
0x6a: {  	p1 =	sne.s32 s24, s10;
	[sflag:s20] =	ssyncadd.s32 $0xFFFFFFE0  }
.Ltmp1:
0x6b: {  	s25 =	simm.s32 @!p0 $0x2;
	[bflag:$0x0] =	sbarrier.arrive $0xFFFF;
	(pc) =	sbr.rel @p1 .LBB2_1-.Ltmp1, $4  }
0x6c: {  	[hbm:s9], [sflag:s13] =	dma.local @!p0 [spmem:s14], $0x3E80  }
0x6d: {  	_ =	swait.ge @!p0 [sflag:s25], $0x3E80  }
0x6e: {  	[sflag:s25] =	ssyncset.done @!p0 $0x0  }
0x6f: {  	[sflag:s25] =	ssyncadd.s32 @!p0 $0xFFFFC180  }
0x70: {  	_ =	sfence.sel $0x180000  }
0x71: {  	[bflag:$0x0] =	sbarrier.arrive $0xFFFF  }
0x72: {  	p0 =	sne.s32 s1, $0x0;
	_ =	strace $0x9000004A  }
0x73: {  	s0 =	sadd.s32 @!p0 $0x100000, s0;
	[bflag:$0x2] =	sbarrier.arrive $0xFFFF  }
0x74: {  	[sflag:s0] =	ssyncadd.tile.s32 @!p0 $0x1;
	_ =	shalt  }
.Lfunc_end2:
_tile_overlayer_lowered:
.L_overlay_start_2:
0x75: {  	(tag) =	ssettag $0x2  }
0x76: {  	s0 =	rddreg [dreg:$0x0];
	s2 =	stileid.u32  }
0x77: {  	s1 =	rddreg [dreg:$0x1];
	p0 =	sne.s32 s2, $0x0  }
0x78: {  	s3 =	rddreg [dreg:$0x2];
	[bflag:$0x3] =	sbarrier.arrive $0xFFFF;
	s2 =	simm.s32 @!p0 $0x1C02  }
0x79: {  	[timem:s3], [sflag:s2] =	dma.local @!p0 [hbm:s0], s1  }
0x7a: {  	s0 =	simm.s32 @!p0 $0x2  }
0x7b: {  	_ =	swait.ge @!p0 [sflag:s0], s1  }
0x7c: {  	s1 =	ssub.s32 @!p0 $0x0, s1;
	[sflag:s0] =	ssyncset.done @!p0 $0x0  }
0x7d: {  	[sflag:s0] =	ssyncadd.s32 @!p0 s1  }
0x7e: {  	[bflag:$0x3] =	sbarrier.arrive $0xFFFF  }
0x7f: {  	_ =	shalt  }

// kernel: kernel.7.cloned.1.call-start
scs
__scs_entry_jumppad:
0x0: {  	(pc) =	sbr.rel $0x88, $3  }
0x1: {  	(tag) =	ssettag $0x0;
	lr =	simm.s32 $0x1  }
0x2: {  	[smem:$0x3F97] =	sst lr;
	_ =	strace $0xD0000000  }
0x3: {  	_ = 	snop  }
0x4: {  	_ = 	snop  }
0x5: {  	_ = 	snop  }
0x6: {  	_ = 	snop  }
0x7: {  	_ = 	snop  }
__scs_overlays_trampoline_lowered:
0x8: {  	[smem:$0x3FA6] =	sst s0  }
0x9: {  	[smem:$0x3FA7] =	sst s1  }
0xa: {  	[smem:$0x3FA8] =	sst s2  }
0xb: {  	[smem:$0x3FA9] =	sst s3  }
0xc: {  	[smem:$0x3FAA] =	sst s4  }
0xd: {  	[smem:$0x3FAB] =	sst s5  }
0xe: {  	[smem:$0x3FAC] =	sst s6  }
0xf: {  	[smem:$0x3FAD] =	sst s7  }
0x10: {  	[smem:$0x3FAE] =	sst s8  }
0x11: {  	[smem:$0x3FAF] =	sst s9;
	s0 =	simm.s32 @!p0 $0x0  }
0x12: {  	s1 =	sld [smem:$0x3F95];
	s0 =	simm.s32 @p0 $0x1  }
0x13: {  	[smem:$0x3FB0] =	sst s0;
	s0 =	simm.s32 @!p1 $0x0  }
0x14: {  	s2 =	sld [smem:$0x3F94];
	s0 =	simm.s32 @p1 $0x1  }
0x15: {  	[smem:$0x3FB1] =	sst s0;
	s0 =	simm.s32 @!p2 $0x0  }
0x16: {  	s3 =	sld [smem:$0x3FDB];
	s0 =	simm.s32 @p2 $0x1  }
0x17: {  	s4 =	simm.s32 $0x1BF5;
	[smem:$0x3FB3] =	sst s0  }
0x18: {  	s0 =	sld [smem:$0x3F96];
	_ =	swait.ge [sflag:s4], $0x0  }
0x19: {  	s7 =	sld [smem:$0x3F97]  }
0x1a: {  	s8 =	sadd.s32 $0xFFFFE003, lr  }
0x1b: {  	s9 =	sadd.s32 $0xFFFFFEF7, lr;
	s5 =	simm.s32 $0xFFFFFFFF;
	p2 =	slt.u32 s8, $0xFFFFF086  }
0x1c: {  	p1 =	slt.u32 s9, $0xF7A;
	s5 =	simm.s32 @!p2 $0x0  }
0x1d: {  	s5 =	simm.s32 @p1 $0x1;
	p0 =	seq.s32 s7, s2  }
0x1e: {  	s7 =	smul.u32 @!p0 $0xF7A, s2;
	p2 =	seq.s32 @!p0 s5, $0x0  }
0x1f: {  	s9 =	smul.u32 $0xF7A, s1;
	s8 =	simm.s32 @!p0 $0x1BF5;
	p2 =	por !p2, p0  }
0x20: {  	[sflag:s8] =	ssyncset.s32 @!p0 $0xFFFFF086;
	s6 =	sadd.s32 @!p0 s3, s7;
	s7 =	simm.s32 @!p0 $0x108  }
0x21: {  	s3 =	sadd.s32 s3, s9;
	s6 =	sadd.s32 @!p0 $0x88, s6;
	s7 =	simm.s32 @p2 $0x1082  }
0x22: {  	[simem:s7], [sflag:s8] =	dma.local @!p0 [hbm:s6], $0xF7A  }
0x23: {  	s9 =	sor.u32 $0xD0000000, s2;
	s6 =	simm.s32 $0x108;
	_ =	swait.ge @!p0 [sflag:s8], $0x0  }
0x24: {  	s3 =	sadd.s32 $0x88, s3;
	s6 =	simm.s32 @!p1 $0x1082;
	[sflag:s4] =	ssyncset.s32 $0xFFFFF086  }
0x25: {  	[simem:s6], [sflag:s4] =	dma.local [hbm:s3], $0xF7A  }
0x26: {  	[smem:$0x3F97] =	sst s1;
	(tag) =	ssettag s2;
	_ =	strace s9  }
0x27: {  	s1 =	sld [smem:$0x3FA7]  }
0x28: {  	s2 =	sld [smem:$0x3FA8]  }
0x29: {  	s4 =	sld [smem:$0x3FAA]  }
0x2a: {  	p0 =	seq.s32 s5, $0x0;
	s5 =	sld [smem:$0x3FAB]  }
0x2b: {  	s6 =	sld [smem:$0x3FAC]  }
0x2c: {  	s7 =	sld [smem:$0x3FAD]  }
0x2d: {  	s3 =	simm.s32 $0x108;
	s8 =	sld [smem:$0x3FAE]  }
0x2e: {  	s3 =	simm.s32 @!p0 $0x1082;
	s9 =	sld [smem:$0x3FAF]  }
0x2f: {  	lr =	sadd.s32 s0, s3;
	s0 =	sld [smem:$0x3FA6]  }
0x30: {  	s3 =	sld [smem:$0x3FA9]  }
0x31: {  	[smem:$0x3FB2] =	sst s10  }
0x32: {  	s10 =	sld [smem:$0x3FB0];
	_ =	sdelay $0x3  }
0x33: {  	p0 =	seq.s32 s10, $0x1;
	s10 =	sld [smem:$0x3FB2];
	_ =	sdelay $0x3  }
0x34: {  	[smem:$0x3FB2] =	sst s10  }
0x35: {  	s10 =	sld [smem:$0x3FB1];
	_ =	sdelay $0x3  }
0x36: {  	p1 =	seq.s32 s10, $0x1;
	s10 =	sld [smem:$0x3FB2];
	_ =	sdelay $0x3  }
0x37: {  	[smem:$0x3FB2] =	sst s10  }
0x38: {  	s10 =	sld [smem:$0x3FB3]  }
0x39: {  	_ = 	snop;
	(pc) =	sbr.ind lr, $3  }
0x3a: {  	_ = 	snop  }
0x3b: {  	_ = 	snop  }
0x3c: {  	p2 =	seq.s32 s10, $0x1;
	s10 =	sld [smem:$0x3FB2]  }
0x3d: {  	_ =	shalt  }
0x3e: {  	_ =	shalt  }
0x3f: {  	_ =	shalt  }
0x40: {  	_ =	shalt  }
0x41: {  	_ =	shalt  }
0x42: {  	_ =	shalt  }
0x43: {  	_ =	shalt  }
0x44: {  	_ =	shalt  }
0x45: {  	_ =	shalt  }
0x46: {  	_ =	shalt  }
0x47: {  	_ =	shalt  }
0x48: {  	_ =	shalt  }
0x49: {  	_ =	shalt  }
0x4a: {  	_ =	shalt  }
0x4b: {  	_ =	shalt  }
0x4c: {  	_ =	shalt  }
0x4d: {  	_ =	shalt  }
0x4e: {  	_ =	shalt  }
0x4f: {  	_ =	shalt  }
0x50: {  	_ =	shalt  }
0x51: {  	_ =	shalt  }
0x52: {  	_ =	shalt  }
0x53: {  	_ =	shalt  }
0x54: {  	_ =	shalt  }
0x55: {  	_ =	shalt  }
0x56: {  	_ =	shalt  }
0x57: {  	_ =	shalt  }
0x58: {  	_ =	shalt  }
0x59: {  	_ =	shalt  }
0x5a: {  	_ =	shalt  }
0x5b: {  	_ =	shalt  }
0x5c: {  	_ =	shalt  }
0x5d: {  	_ =	shalt  }
0x5e: {  	_ =	shalt  }
0x5f: {  	_ =	shalt  }
0x60: {  	_ =	shalt  }
0x61: {  	_ =	shalt  }
0x62: {  	_ =	shalt  }
0x63: {  	_ =	shalt  }
0x64: {  	_ =	shalt  }
0x65: {  	_ =	shalt  }
0x66: {  	_ =	shalt  }
0x67: {  	_ =	shalt  }
0x68: {  	_ =	shalt  }
0x69: {  	_ =	shalt  }
0x6a: {  	_ =	shalt  }
0x6b: {  	_ =	shalt  }
0x6c: {  	_ =	shalt  }
0x6d: {  	_ =	shalt  }
0x6e: {  	_ =	shalt  }
0x6f: {  	_ =	shalt  }
0x70: {  	_ =	shalt  }
0x71: {  	_ =	shalt  }
0x72: {  	_ =	shalt  }
0x73: {  	_ =	shalt  }
0x74: {  	_ =	shalt  }
0x75: {  	_ =	shalt  }
0x76: {  	_ =	shalt  }
0x77: {  	_ =	shalt  }
0x78: {  	_ =	shalt  }
0x79: {  	_ =	shalt  }
0x7a: {  	_ =	shalt  }
0x7b: {  	_ =	shalt  }
0x7c: {  	_ =	shalt  }
0x7d: {  	_ =	shalt  }
0x7e: {  	_ =	shalt  }
0x7f: {  	_ =	shalt  }
0x80: {  	_ =	shalt  }
0x81: {  	_ =	shalt  }
0x82: {  	_ =	shalt  }
0x83: {  	_ =	shalt  }
0x84: {  	_ =	shalt  }
0x85: {  	_ =	shalt  }
0x86: {  	_ =	shalt  }
0x87: {  	_ =	shalt  }
.Lfunc_end0:
.L_simem_size_0:
called_computation_lowered:
.L_overlay_start_0:
0x88: {  	s2 =	sld [smem:$0x3FD9]  }
0x89: {  	s3 =	sld [smem:$0x3FFE];
	_ =	sdelay $0x1  }
0x8a: {  	s1 =	srdreg.scid  }
0x8b: {  	s0 =	sand.u32 $0x1, s1  }
0x8c: {  	s16 =	sshll.u32 s0, $0xA;
	s2 =	sadd.s32 s3, s2  }
0x8d: {  	s2 =	sadd.s32 s2, s16  }
0x8e: {  	[smem:$0x3FBE] =	sst s2  }
0x8f: {  	_ = 	snop  }
0x90: {  	(tm) =	ssettm $0x1  }
0x91: {  	s17 =	sld [smem:$0x3FFB];
	_ =	sdelay $0x3  }
0x92: {  	_ =	strace s17  }
0x93: {  	s2 =	sld [smem:$0x3FFC];
	_ =	sdelay $0x3  }
0x94: {  	_ =	strace s2  }
0x95: {  	s2 =	sld [smem:$0x3FFD];
	_ =	sdelay $0x3  }
0x96: {  	_ =	strace s2  }
0x97: {  	_ =	strace $0x8FFFFFFF  }
0x98: {  	s18 =	sld [smem:$0x3FDB];
	_ =	sdelay $0x1  }
0x99: {  	s19 =	simm.s32 $_scs_section_size  }
0x9a: {  	s4 =	simm.s32 $_size__tile_overlayer_lowered;
	s5 =	simm.s32 $_tile_overlayer_lowered  }
0x9b: {  	s22 =	simm.s32 $0x1BFF;
	s21 =	sshll.u32 s5, $0x1;
	s2 =	sadd.s32 s19, s18  }
0x9c: {  	s6 =	simm.s32 $0x0;
	s20 =	sshll.u32 s4, $0x1;
	s4 =	sadd.s32 s21, s2  }
0x9d: {  	[timem:s6], [sflag:s22] =	dma.local [hbm:s4], s20  }
0x9e: {  	_ =	swait.ge [sflag:s22], s20  }
0x9f: {  	s3 =	ssub.s32 $0x0, s20;
	[sflag:s22] =	ssyncset.done $0x0  }
0xa0: {  	[sflag:s22] =	ssyncadd.s32 s3;
	_ =	sdelay $0x1  }
0xa1: {  	s23 =	simm.s32 $0x1B8B  }
0xa2: {  	_ =	swait.ge [sflag:s23], $0x1  }
0xa3: {  	[sflag:s23] =	ssyncset.done $0x0  }
0xa4: {  	s25 =	simm.s32 $0x1B8E;
	s24 =	sld [smem:$0x3FFE];
	[sflag:s23] =	ssyncadd.s32 $0xFFFFFFFF  }
0xa5: {  	s26 =	simm.s32 $execute0_lowered;
	[smem:$0x3FD2] =	sst s25  }
0xa6: {  	s4 =	sshll.u32 s26, $0x1;
	_ =	strace $0x80000046;
	[dreg:$0x1] =	wrdreg $0xFFFFFFFF  }
0xa7: {  	s28 =	simm.s32 $_size_execute0_lowered;
	s2 =	sadd.s32 s2, s4;
	[dreg:$0x0] =	wrdreg $0x0  }
0xa8: {  	s4 =	sshll.u32 s28, $0x1;
	[dreg:$0x2] =	wrdreg s2  }
0xa9: {  	[dreg:$0x3] =	wrdreg s4  }
0xaa: {  	[dreg:$0x4] =	wrdreg $0xC0  }
0xab: {  	_ =	task [dreg:s6], $0x5FFFF  }
0xac: {  	[dreg:$0x1] =	wrdreg $0xFFFFFFFF  }
0xad: {  	[dreg:$0x0] =	wrdreg $0x60  }
0xae: {  	[dreg:$0x2] =	wrdreg s24  }
0xaf: {  	[dreg:$0x3] =	wrdreg $0x9  }
0xb0: {  	_ =	task.clear_ibuf [dreg:s6], $0x4FFFF;
	_ =	strace $0x90000046  }
0xb1: {  	s29 =	simm.s32 $0x9;
	_ =	strace $0x80000048  }
0xb2: {  	_ =	swait.ge [sflag:s29], $0x1  }
0xb3: {  	[sflag:s29] =	ssyncadd.s32 $0xFFFFFFFF  }
0xb4: {  	_ =	strace $0x90000048  }
0xb5: {  	_ =	sfence  }
0xb6: {  	s30 =	sld [smem:$0x0];
	_ =	sdelay $0x2  }
0xb7: {  	s31 =	sshll.u32 s1, $0xD;
	s1 =	sshrl.u32 s1, $0x2  }
0xb8: {  	s3 =	sand.u32 $0x4000, s31;
	s1 =	sadd.s32 s1, s30  }
0xb9: {  	s0 =	sor.u32 s3, s0;
	s1 =	sshll.u32 s1, $0x11  }
0xba: {  	s0 =	sor.u32 s1, s0  }
0xbb: {  	s0 =	sadd.s32 $0x8F2B, s0  }
0xbc: {  	[sflag:s0] =	ssyncadd.remote.s32 $0x1  }
0xbd: {  	_ =	sfence.sel $0xFFFF  }
0xbe: {  	[dreg:$0x0] =	wrdreg $0xFFFFFFFF;
	(pc) =	sbr.abs _section_cstart, $3  }
0xbf: {  	[dreg:$0x1] =	wrdreg $0xFFFFFFFF  }
0xc0: {  	_ =	task.clear_ibuf [dreg:s6], $0x2FFFF;
	_ =	strace $0x9FFFFFFF  }
0xc1: {  	(tm) =	ssettm $0x7FFFFFFF  }
tec
execute0_lowered:
.L_overlay_start_1:
0x0: {  	(tag) =	ssettag $0x1  }
0x1: {  	s1 =	srdreg.scid  }
0x2: {  	s0 =	stileid.u32;
	s4 =	rddreg [dreg:$0x0];
	s2 =	simm.s32 $0x0  }
0x3: {  	s9 =	simm.s32 $0x80;
	s10 =	simm.s32 $0x2800;
	s11 =	simm.s32 $0x6800  }
0x4: {  	s12 =	simm.s32 $0xA800;
	s13 =	simm.s32 $0xE800;
	s14 =	simm.s32 $0x1  }
0x5: {  	s15 =	simm.s32 $0x2;
	s16 =	simm.s32 $0x3;
	s17 =	simm.s32 $0x4  }
0x6: {  	s5 =	sand.u32 $0x1, s1;
	s3 =	sshll.u32 s0, $0x1;
	s1 =	rddreg [dreg:$0x1]  }
0x7: {  	s18 =	simm.s32 $0x0;
	[smem:$0x7FF] =	sst s2;
	s6 =	sor.u32 s5, s3  }
0x8: {  	_ =	strace $0x80000047;
	s5 =	ssub.s32 $0x2, s5;
	s7 =	smul.u32 $0x500, s6  }
0x9: {  	s3 =	sadd.s32 $0xB000, s4;
	s8 =	sshrl.u32 s5, $0x1;
	s6 =	smul.u32 $0x28, s6  }
0xa: {  	s8 =	ssub.s32 s5, s8;
	s7 =	sadd.s32 s7, s4;
	s4 =	sadd.s32 $0x59200, s4  }
0xb: {  	s5 =	sadd.s32 $0x1000, s7;
	s7 =	smax.u32 s8, $0x1;
	s8 =	simm.s32 $0x5  }
.LBB2_1:
0xc: {  	[tilespmem:s2], [sflag:$0x5] =	stream.linear.gather [hbm4b:s5+s2], $0x2800, $0x38;
	[tilespmem:$0x12800] =	vst v63  }
0xd: {  	_ =	swait.ge [sflag:s8], $0x2800  }
0xe: {  	[sflag:s8] =	ssyncset.done $0x0  }
0xf: {  	s19 =	simm.s32 $0x0;
	[sflag:s8] =	ssyncadd.s32 $0xFFFFD800  }
.LBB2_2:
0x10: {  	s20 =	sshll.u32 s19, $0x9  }
0x11: {  	s20 =	sand.u32 $0x3FFFFE00, s20  }
0x12: {  	[tilespmem:s10], [sflag:$0x1] =	stream.indirect.gather [hbm4b:s3+s9], $0x80, s20, s9, $0xb8;
	[tilespmem:$0x12800] =	vst v63  }
0x13: {  	s20 =	sor.u32 $0x80, s20  }
0x14: {  	[tilespmem:s11], [sflag:$0x1] =	stream.indirect.gather [hbm4b:s3+s9], $0x80, s20, s9, $0xb8;
	[tilespmem:$0x12800] =	vst v63  }
0x15: {  	s20 =	sshllo.u32 s19, $0x1  }
0x16: {  	s21 =	sshll.u32 s20, $0x8  }
0x17: {  	s21 =	sand.u32 $0x3FFFFF00, s21  }
0x18: {  	[tilespmem:s12], [sflag:$0x2] =	stream.indirect.gather [hbm4b:s3+s9], $0x80, s21, s9, $0xb8;
	[tilespmem:$0x12800] =	vst v63  }
0x19: {  	s21 =	sor.u32 $0x80, s21  }
0x1a: {  	[tilespmem:s13], [sflag:$0x2] =	stream.indirect.gather [hbm4b:s3+s9], $0x80, s21, s9, $0xb8;
	[tilespmem:$0x12800] =	vst v63  }
0x1b: {  	_ =	swait.ge [sflag:s14], $0x4000  }
0x1c: {  	[sflag:s14] =	ssyncset.done $0x0  }
0x1d: {  	[sflag:s14] =	ssyncadd.s32 $0xFFFFC000  }
0x1e: {  	_ =	swait.ge [sflag:s14], $0x4000  }
0x1f: {  	[sflag:s14] =	ssyncset.done $0x0  }
0x20: {  	s21 =	simm.s32 $0x0;
	[sflag:s14] =	ssyncadd.s32 $0xFFFFC000  }
0x21: {  	v7 =	vld [tilespmem:s21+$0x6800]  }
0x22: {  	v11 =	vld [tilespmem:s21+$0x6810]  }
0x23: {  	v5 =	vld [tilespmem:s21+$0x6820]  }
0x24: {  	v4 =	vld [tilespmem:s21+$0x6830]  }
0x25: {  	v3 =	vld [tilespmem:s21+$0x6840]  }
0x26: {  	v2 =	vld [tilespmem:s21+$0x6850]  }
0x27: {  	v1 =	vld [tilespmem:s21+$0x6860]  }
0x28: {  	v0 =	vld [tilespmem:s21+$0x6870]  }
0x29: {  	v12 =	vld [tilespmem:s21+$0x2800]  }
0x2a: {  	v13 =	vld [tilespmem:s21+$0x2810]  }
0x2b: {  	v10 =	vld [tilespmem:s21+$0x2820]  }
0x2c: {  	v9 =	vld [tilespmem:s21+$0x2830]  }
0x2d: {  	v8 =	vld [tilespmem:s21+$0x2840]  }
0x2e: {  	v6 =	vld [tilespmem:s21+$0x2850];
	v12 =	vadd.bf16 v7, v12  }
0x2f: {  	s22 =	sshll.u32 s19, $0x1;
	s23 =	simm.s32 $0x200;
	v11 =	vadd.bf16 v11, v13;
	v7 =	vld [tilespmem:s21+$0x2860]  }
.LBB2_3:
0x30: {  	s24 =	sshra.s32 s23, $0x2;
	p0 =	sne.s32 s23, $0xFE00;
	[tilespmem:s21+$0x2800] =	vst v12;
	v5 =	vadd.bf16 v5, v10;
	v10 =	vld [tilespmem:s21+$0x2870]  }
0x31: {  	v12 =	vld [tilespmem:s24+$0x6800];
	[tilespmem:s21+$0x2810] =	vst v11;
	v4 =	vadd.bf16 v4, v9  }
0x32: {  	v11 =	vld [tilespmem:s24+$0x6810];
	[tilespmem:s21+$0x2820] =	vst v5;
	v3 =	vadd.bf16 v3, v8  }
0x33: {  	v5 =	vld [tilespmem:s24+$0x6820];
	[tilespmem:s21+$0x2830] =	vst v4;
	v2 =	vadd.bf16 v2, v6  }
0x34: {  	v4 =	vld [tilespmem:s24+$0x6830];
	[tilespmem:s21+$0x2840] =	vst v3;
	v1 =	vadd.bf16 v1, v7  }
0x35: {  	v3 =	vld [tilespmem:s24+$0x6840];
	[tilespmem:s21+$0x2850] =	vst v2;
	v0 =	vadd.bf16 v0, v10  }
0x36: {  	v2 =	vld [tilespmem:s24+$0x6850];
	[tilespmem:s21+$0x2860] =	vst v1  }
0x37: {  	v1 =	vld [tilespmem:s24+$0x6860];
	[tilespmem:s21+$0x2870] =	vst v0;
	s21 =	smov.u32 s24  }
0x38: {  	v0 =	vld [tilespmem:s21+$0x6870]  }
0x39: {  	v6 =	vld [tilespmem:s21+$0x2800]  }
0x3a: {  	v7 =	vld [tilespmem:s21+$0x2810]  }
.Ltmp0:
0x3b: {  	v10 =	vld [tilespmem:s21+$0x2820];
	(pc) =	sbr.rel @p0 .LBB2_3-.Ltmp0, $4  }
0x3c: {  	v9 =	vld [tilespmem:s21+$0x2830]  }
0x3d: {  	v8 =	vld [tilespmem:s21+$0x2840]  }
0x3e: {  	v12 =	vadd.bf16 v12, v6;
	v6 =	vld [tilespmem:s21+$0x2850]  }
0x3f: {  	s23 =	sadd.s32 $0x200, s23;
	v11 =	vadd.bf16 v11, v7;
	v7 =	vld [tilespmem:s21+$0x2860]  }
0x40: {  	[tilespmem:s21+$0x2800] =	vst v12;
	v5 =	vadd.bf16 v5, v10;
	v10 =	vld [tilespmem:s21+$0x2870]  }
0x41: {  	[tilespmem:s21+$0x2810] =	vst v11;
	v4 =	vadd.bf16 v4, v9  }
0x42: {  	[tilespmem:s21+$0x2820] =	vst v5;
	v3 =	vadd.bf16 v3, v8  }
0x43: {  	[tilespmem:s21+$0x2830] =	vst v4;
	v2 =	vadd.bf16 v2, v6  }
0x44: {  	s22 =	sadd.s32 s6, s22;
	[tilespmem:s21+$0x2840] =	vst v3;
	v1 =	vadd.bf16 v1, v7  }
0x45: {  	s22 =	smin.u32 s22, $0x4E2;
	[tilespmem:s21+$0x2850] =	vst v2;
	v0 =	vadd.bf16 v0, v10  }
0x46: {  	s22 =	sshll.u32 s22, $0xB;
	[tilespmem:s21+$0x2860] =	vst v1  }
0x47: {  	s31 =	simm.s32 $0x0;
	s30 =	sadd.s32 s4, s22;
	[tilespmem:s21+$0x2870] =	vst v0  }
0x48: {  	[hbm4b:s30+s31] =	stream.linear.scatter [tilespmem:s10], [sflag:$0x3], $0x4000, $0x38;
	[tilespmem:$0x12800] =	vst v63  }
0x49: {  	_ =	swait.ge [sflag:s15], $0x4000  }
0x4a: {  	[sflag:s15] =	ssyncset.done $0x0  }
0x4b: {  	[sflag:s15] =	ssyncadd.s32 $0xFFFFC000  }
0x4c: {  	_ =	swait.ge [sflag:s15], $0x4000  }
0x4d: {  	[sflag:s15] =	ssyncset.done $0x0  }
0x4e: {  	s21 =	simm.s32 $0x0;
	[sflag:s15] =	ssyncadd.s32 $0xFFFFC000  }
0x4f: {  	v7 =	vld [tilespmem:s21+$0xE800]  }
0x50: {  	v11 =	vld [tilespmem:s21+$0xE810]  }
0x51: {  	v5 =	vld [tilespmem:s21+$0xE820]  }
0x52: {  	v4 =	vld [tilespmem:s21+$0xE830]  }
0x53: {  	v3 =	vld [tilespmem:s21+$0xE840]  }
0x54: {  	v2 =	vld [tilespmem:s21+$0xE850]  }
0x55: {  	v1 =	vld [tilespmem:s21+$0xE860]  }
0x56: {  	v0 =	vld [tilespmem:s21+$0xE870]  }
0x57: {  	v12 =	vld [tilespmem:s21+$0xA800]  }
0x58: {  	v13 =	vld [tilespmem:s21+$0xA810]  }
0x59: {  	v10 =	vld [tilespmem:s21+$0xA820]  }
0x5a: {  	v9 =	vld [tilespmem:s21+$0xA830]  }
0x5b: {  	v8 =	vld [tilespmem:s21+$0xA840]  }
0x5c: {  	v6 =	vld [tilespmem:s21+$0xA850];
	v12 =	vadd.bf16 v7, v12  }
0x5d: {  	s22 =	simm.s32 $0x200;
	v11 =	vadd.bf16 v11, v13;
	v7 =	vld [tilespmem:s21+$0xA860]  }
.LBB2_5:
0x5e: {  	s23 =	sshra.s32 s22, $0x2;
	p0 =	sne.s32 s22, $0xFE00;
	[tilespmem:s21+$0xA800] =	vst v12;
	v5 =	vadd.bf16 v5, v10;
	v10 =	vld [tilespmem:s21+$0xA870]  }
0x5f: {  	v12 =	vld [tilespmem:s23+$0xE800];
	[tilespmem:s21+$0xA810] =	vst v11;
	v4 =	vadd.bf16 v4, v9  }
0x60: {  	v11 =	vld [tilespmem:s23+$0xE810];
	[tilespmem:s21+$0xA820] =	vst v5;
	v3 =	vadd.bf16 v3, v8  }
0x61: {  	v5 =	vld [tilespmem:s23+$0xE820];
	[tilespmem:s21+$0xA830] =	vst v4;
	v2 =	vadd.bf16 v2, v6  }
0x62: {  	v4 =	vld [tilespmem:s23+$0xE830];
	[tilespmem:s21+$0xA840] =	vst v3;
	v1 =	vadd.bf16 v1, v7  }
0x63: {  	v3 =	vld [tilespmem:s23+$0xE840];
	[tilespmem:s21+$0xA850] =	vst v2;
	v0 =	vadd.bf16 v0, v10  }
0x64: {  	v2 =	vld [tilespmem:s23+$0xE850];
	[tilespmem:s21+$0xA860] =	vst v1  }
0x65: {  	v1 =	vld [tilespmem:s23+$0xE860];
	[tilespmem:s21+$0xA870] =	vst v0;
	s21 =	smov.u32 s23  }
0x66: {  	v0 =	vld [tilespmem:s21+$0xE870]  }
0x67: {  	v6 =	vld [tilespmem:s21+$0xA800]  }
0x68: {  	v7 =	vld [tilespmem:s21+$0xA810]  }
.Ltmp1:
0x69: {  	v10 =	vld [tilespmem:s21+$0xA820];
	(pc) =	sbr.rel @p0 .LBB2_5-.Ltmp1, $4  }
0x6a: {  	v9 =	vld [tilespmem:s21+$0xA830]  }
0x6b: {  	v8 =	vld [tilespmem:s21+$0xA840]  }
0x6c: {  	v12 =	vadd.bf16 v12, v6;
	v6 =	vld [tilespmem:s21+$0xA850]  }
0x6d: {  	s22 =	sadd.s32 $0x200, s22;
	v11 =	vadd.bf16 v11, v7;
	v7 =	vld [tilespmem:s21+$0xA860]  }
0x6e: {  	[tilespmem:s21+$0xA800] =	vst v12;
	v5 =	vadd.bf16 v5, v10;
	v63 =	vld [tilespmem:s21+$0xA870]  }
0x6f: {  	[tilespmem:s21+$0xA810] =	vst v11;
	v4 =	vadd.bf16 v4, v9  }
0x70: {  	[tilespmem:s21+$0xA820] =	vst v5;
	v3 =	vadd.bf16 v3, v8  }
0x71: {  	[tilespmem:s21+$0xA830] =	vst v4;
	v2 =	vadd.bf16 v2, v6  }
0x72: {  	s20 =	sadd.s32 s6, s20;
	[tilespmem:s21+$0xA840] =	vst v3;
	v1 =	vadd.bf16 v1, v7  }
0x73: {  	s20 =	smin.u32 s20, $0x4E2;
	[tilespmem:s21+$0xA850] =	vst v2;
	v0 =	vadd.bf16 v0, v63  }
0x74: {  	s20 =	sshll.u32 s20, $0xB;
	[tilespmem:s21+$0xA860] =	vst v1  }
0x75: {  	s19 =	sadd.s32 $0x1, s19;
	s20 =	sadd.s32 s4, s20;
	[tilespmem:s21+$0xA870] =	vst v0  }
0x76: {  	[hbm4b:s20+s2] =	stream.linear.scatter [tilespmem:s12], [sflag:$0x4], $0x4000, $0x38;
	[tilespmem:$0x12800] =	vst v63  }
0x77: {  	p0 =	sne.s32 s19, $0x14;
	_ =	swait.ge [sflag:s16], $0x4000  }
.Ltmp2:
0x78: {  	[sflag:s16] =	ssyncset.done $0x0;
	(pc) =	sbr.rel @p0 .LBB2_2-.Ltmp2, $4  }
0x79: {  	[sflag:s16] =	ssyncadd.s32 $0xFFFFC000  }
0x7a: {  	_ =	swait.ge [sflag:s17], $0x4000  }
0x7b: {  	[sflag:s17] =	ssyncset.done $0x0  }
0x7c: {  	[sflag:s17] =	ssyncadd.s32 $0xFFFFC000  }
0x7d: {  	s18 =	sadd.s32 $0x1, s18  }
0x7e: {  	p0 =	sne.s32 s18, s7  }
.Ltmp3:
0x7f: {  	_ = 	snop;
	(pc) =	sbr.rel @p0 .LBB2_1-.Ltmp3, $1  }
0x80: {  	_ =	sdelay $0x3  }
0x81: {  	_ =	sfence.sel $0x180000  }
0x82: {  	[bflag:$0x0] =	sbarrier.arrive $0xFFFF  }
0x83: {  	p0 =	sne.s32 s0, $0x0;
	_ =	strace $0x90000047  }
0x84: {  	s0 =	sadd.s32 @!p0 $0x100000, s1;
	[bflag:$0x2] =	sbarrier.arrive $0xFFFF  }
0x85: {  	[sflag:s0] =	ssyncadd.tile.s32 @!p0 $0x1;
	_ =	shalt  }
.Lfunc_end2:
_tile_overlayer_lowered:
.L_overlay_start_2:
0x86: {  	(tag) =	ssettag $0x2  }
0x87: {  	s0 =	rddreg [dreg:$0x0];
	s2 =	stileid.u32  }
0x88: {  	s1 =	rddreg [dreg:$0x1];
	p0 =	sne.s32 s2, $0x0  }
0x89: {  	s3 =	rddreg [dreg:$0x2];
	[bflag:$0x3] =	sbarrier.arrive $0xFFFF;
	s2 =	simm.s32 @!p0 $0x1C05  }
0x8a: {  	[timem:s3], [sflag:s2] =	dma.local @!p0 [hbm:s0], s1  }
0x8b: {  	s0 =	simm.s32 @!p0 $0x5  }
0x8c: {  	_ =	swait.ge @!p0 [sflag:s0], s1  }
0x8d: {  	s1 =	ssub.s32 @!p0 $0x0, s1;
	[sflag:s0] =	ssyncset.done @!p0 $0x0  }
0x8e: {  	[sflag:s0] =	ssyncadd.s32 @!p0 s1  }
0x8f: {  	[bflag:$0x3] =	sbarrier.arrive $0xFFFF  }
0x90: {  	_ =	shalt  }

</sc_bundles>
